<compile_context>
chip_gen: v7x
topology: tpu7x:2x2x1
jax: 0.10.2.dev20260603
libtpu: 0.0.44.dev20260713+nightly
codegen_flags: <defaults>
</compile_context>

<pallas_src>
import functools

import jax
import jax.numpy as jnp
from jax import lax
from jax.experimental import pallas as pl
from jax.experimental.pallas import tpu as pltpu
from jax.experimental.pallas import tpu_sc as plsc

_L = 16
_D = 64
_B = 4096
_DBASE = (_B - 1) & ~127
_DOFF = (_B - 1) - _DBASE


def _rsqrt_nr(x):
    xi = lax.bitcast_convert_type(x, jnp.int32)
    yi = jnp.int32(0x5F3759DF) - lax.shift_right_logical(xi, 1)
    y = lax.bitcast_convert_type(yi, jnp.float32)
    half = x * 0.5
    for _ in range(3):
        y = y * (1.5 - half * y * y)
    return y


def _allsum(x):
    idx = lax.iota(jnp.int32, _L)
    for s in (8, 4, 2, 1):
        perm = jnp.bitwise_xor(idx, s)
        x = x + jnp.take_along_axis(x, perm, axis=0, mode="promise_in_bounds")
    return x


def _sc_body(data_hbm, cor_hbm, marg_hbm, table_hbm, out_hbm, dblk, civ, mv,
             blk0, blk1, blk2, blk3, res_v, sem):
    cid = lax.axis_index("c")
    sid = lax.axis_index("s")

    @pl.when(jnp.logical_and(cid == 0, sid == 0))
    def _():
        stage = [
            pltpu.async_copy(
                data_hbm.at[:, pl.ds(_DBASE, 128)], dblk, sem),
            pltpu.async_copy(cor_hbm, civ.at[pl.ds(0, 1)], sem),
            pltpu.async_copy(marg_hbm, mv.at[pl.ds(0, 1)], sem),
        ]
        for s in stage:
            s.wait()
        riota0 = lax.iota(jnp.int32, _L)
        vd = plsc.load_gather(
            dblk,
            [jnp.minimum(riota0, 2),
             jnp.broadcast_to(jnp.int32(_DOFF), (_L,))],
        )
        vc = civ[...]
        marg = mv[...][0]
        iv = (vd[0], vd[1], vd[2], vc[0])

        blks = (blk0, blk1, blk2, blk3)
        offs = []
        copies = []
        for k in range(4):
            base = pl.multiple_of(jnp.bitwise_and(iv[k], jnp.int32(-128)), 128)
            offs.append(jnp.broadcast_to(iv[k] - base, (_L,)))
            copies.append(
                pltpu.async_copy(
                    table_hbm.at[:, pl.ds(base, 128)], blks[k], sem))
        for c in copies:
            c.wait()

        riota = lax.iota(jnp.int32, _L)

        def col(k, c):
            return plsc.load_gather(blks[k], [riota + c * _L, offs[k]])

        zero = jnp.zeros((_L,), jnp.float32)
        sh, st, sc = zero, zero, zero
        hs, rs, ts, cs = [], [], [], []
        for c in range(_D // _L):
            hc = col(0, c)
            rc = col(1, c)
            tc = col(2, c)
            cc = col(3, c)
            hs.append(hc)
            rs.append(rc)
            ts.append(tc)
            cs.append(cc)
            sh = sh + hc * hc
            st = st + tc * tc
            sc = sc + cc * cc

        big = jnp.float32(1e12)
        inv_h = jnp.minimum(_rsqrt_nr(_allsum(sh)), big)
        inv_t = jnp.minimum(_rsqrt_nr(_allsum(st)), big)
        inv_c = jnp.minimum(_rsqrt_nr(_allsum(sc)), big)

        spos, sneg = zero, zero
        for c in range(_D // _L):
            base = rs[c] - ts[c] * inv_t
            dp = hs[c] * inv_h + base
            dn = cs[c] * inv_c + base
            spos = spos + dp * dp
            sneg = sneg + dn * dn

        pos2 = _allsum(spos)
        neg2 = _allsum(sneg)
        pos = jnp.where(pos2 > 0, pos2 * _rsqrt_nr(pos2), 0.0)
        neg = jnp.where(neg2 > 0, neg2 * _rsqrt_nr(neg2), 0.0)

        res_v[...] = pos - neg + marg
        pltpu.sync_copy(res_v.at[pl.ds(8, 1)], out_hbm)


_sc_kernel = functools.partial(
    pl.kernel,
    out_type=jax.ShapeDtypeStruct((1,), jnp.float32),
    mesh=plsc.VectorSubcoreMesh(
        core_axis_name="c", subcore_axis_name="s", num_cores=1,
        num_subcores=1),
    scratch_types=[
        pltpu.VMEM((3, 128), jnp.int32),
        pltpu.VMEM((_L,), jnp.int32),
        pltpu.VMEM((_L,), jnp.float32),
        pltpu.VMEM((_D, 128), jnp.float32),
        pltpu.VMEM((_D, 128), jnp.float32),
        pltpu.VMEM((_D, 128), jnp.float32),
        pltpu.VMEM((_D, 128), jnp.float32),
        pltpu.VMEM((_L,), jnp.float32),
        pltpu.SemaphoreType.DMA,
    ],
    compiler_params=pltpu.CompilerParams(needs_layout_passes=False),
)(_sc_body)


def kernel(data, ent_embeds, corrupt_idx, margin):
    return _sc_kernel(data.T, corrupt_idx, margin.astype(jnp.float32),
                      ent_embeds.T)

# --- scband reference (transcript-rebuilt; emitter-appended) ---
"""Pipeline reference for scband-trans-e-5042291606171 (READ-ONLY COPY).

The authoritative reference and input builder live on the scoring server;
editing this copy changes nothing except your own understanding.
"""

import jax, jax.numpy as jnp
import numpy as np

NUM_ENT = 1000000
NUM_REL = 1000
EMBED_DIM = 64
BATCH = 4096


def _l2norm(x):
    # Faithful to F.normalize(x, dim=-1): x / max(||x||_2, eps)
    n = jnp.linalg.norm(x, axis=-1, keepdims=True)
    return x / jnp.maximum(n, 1e-12)


def setup_inputs(seed: int = 0) -> dict:
    key = jax.random.key(seed)
    k1, k2, k3 = jax.random.split(key, 3)
    data = jax.random.randint(k1, (BATCH, 3), 0, NUM_ENT, dtype=jnp.int32)
    # xavier_uniform init for the entity embedding table
    bound = float(np.sqrt(6.0 / (NUM_ENT + EMBED_DIM)))
    ent_embeds = jax.random.uniform(k2, (NUM_ENT, EMBED_DIM), minval=-bound, maxval=bound, dtype=jnp.float32)
    # corruption index (original uses np.random.randint at forward time; we
    # materialize it deterministically as an input)
    corrupt_idx = jax.random.randint(k3, (1,), 0, NUM_ENT, dtype=jnp.int32)
    margin = jnp.array([1.0], dtype=jnp.float32)
    return {"data": data, "ent_embeds": ent_embeds, "corrupt_idx": corrupt_idx, "margin": margin}


def reference(data, ent_embeds, corrupt_idx, margin):
    # idx2embeds: note the original (faithfully reproduced) looks up the
    # relation index in the ENTITY table, and only uses the LAST triple (data[-1]).
    h = _l2norm(jnp.take(ent_embeds, data[-1, 0], axis=0))
    t = _l2norm(jnp.take(ent_embeds, data[-1, 2], axis=0))
    r = jnp.take(ent_embeds, data[-1, 1], axis=0)
    # positive distance
    pos = jnp.linalg.norm(h + r - t, axis=-1)
    # corrupted triple: corrupt the head (fixed deterministic choice of 'h')
    h_c = _l2norm(jnp.take(ent_embeds, corrupt_idx, axis=0))  # shape [1, D]
    neg = jnp.linalg.norm(h_c + r - t, axis=-1)  # broadcasts -> shape [1]
    return pos - neg + margin  # shape [1]

if __name__ == "__main__":
    import jax
    _d = setup_inputs()
    print(jax.jit(kernel)(*tuple(_d.values())))

</pallas_src>

<mosaic_0001>
#map = affine_map<(d0, d1) -> (0, 0)>
#map1 = affine_map<(d0, d1) -> (0)>
module attributes {stable_mosaic.version = 14 : i64} {
  func.func @_sc_body(%arg0: i32, %arg1: i32, %arg2: memref<3x4096xi32, #tpu.memory_space<hbm>>, %arg3: memref<1xi32, #tpu.memory_space<hbm>>, %arg4: memref<1xf32, #tpu.memory_space<hbm>>, %arg5: memref<64x1000000xf32, #tpu.memory_space<hbm>>, %arg6: memref<1xf32, #tpu.memory_space<hbm>>, %arg7: memref<3x128xi32, #tpu.memory_space<vmem>>, %arg8: memref<16xi32, #tpu.memory_space<vmem>>, %arg9: memref<16xf32, #tpu.memory_space<vmem>>, %arg10: memref<64x128xf32, #tpu.memory_space<vmem>>, %arg11: memref<64x128xf32, #tpu.memory_space<vmem>>, %arg12: memref<64x128xf32, #tpu.memory_space<vmem>>, %arg13: memref<64x128xf32, #tpu.memory_space<vmem>>, %arg14: memref<16xf32, #tpu.memory_space<vmem>>, %arg15: memref<!tpu.dma_semaphore, #tpu.memory_space<semaphore_mem>>) attributes {dimension_semantics = [#tpu.dimension_semantics<core_parallel>, #tpu.dimension_semantics<subcore_parallel>], iteration_bounds = array<i64: 1, 1>, scalar_prefetch = 0 : i64, scratch_operands = 9 : i64, tpu.core_type = #tpu.core_type<sc_vector_subcore>, window_params = [{transform_indices = #map}, {transform_indices = #map1}, {transform_indices = #map1}, {transform_indices = #map}, {transform_indices = #map1}]} {
    %eq3A = arith.constant 0 : i32
    %eq3A_0 = arith.cmpi eq, %arg0, %eq3A : i32
    %eq3A_1 = arith.constant 0 : i32
    %eq3A_2 = arith.cmpi eq, %arg1, %eq3A_1 : i32
    %and3A = arith.andi %eq3A_0, %eq3A_2 : i1
    %convert_element_type3A = arith.extui %and3A : i1 to i32
    %cond3A = arith.constant 0 : i32
    %cond3A_3 = arith.cmpi ne, %convert_element_type3A, %cond3A : i32
    scf.if %cond3A_3 {
      %dma_start3A = arith.constant 0 : i32
      %dma_start3A_4 = arith.constant 3968 : i32
      %dma_start3A_5 = tpu.memref_slice %arg2[%dma_start3A, %dma_start3A_4] : memref<3x4096xi32, #tpu.memory_space<hbm>> -> memref<3x128xi32, #tpu.memory_space<hbm>>
      %dma_start3A_6 = arith.constant 0 : i32
      %dma_start3A_7 = arith.constant 3968 : i32
      %dma_start3A_8 = tpu.memref_slice %arg2[%dma_start3A_6, %dma_start3A_7] : memref<3x4096xi32, #tpu.memory_space<hbm>> -> memref<3x128xi32, #tpu.memory_space<hbm>>
      tpu.enqueue_dma source(%dma_start3A_8 : memref<3x128xi32, #tpu.memory_space<hbm>>) target(%arg7 : memref<3x128xi32, #tpu.memory_space<vmem>>) target_semaphore(%arg15 : memref<!tpu.dma_semaphore, #tpu.memory_space<semaphore_mem>>)
      %dma_start3A_9 = arith.constant 0 : i32
      %dma_start3A_10 = tpu.memref_slice %arg8[%dma_start3A_9] : memref<16xi32, #tpu.memory_space<vmem>> -> memref<1xi32, #tpu.memory_space<vmem>>
      %dma_start3A_11 = arith.constant 0 : i32
      %dma_start3A_12 = tpu.memref_slice %arg8[%dma_start3A_11] : memref<16xi32, #tpu.memory_space<vmem>> -> memref<1xi32, #tpu.memory_space<vmem>>
      tpu.enqueue_dma source(%arg3 : memref<1xi32, #tpu.memory_space<hbm>>) target(%dma_start3A_12 : memref<1xi32, #tpu.memory_space<vmem>>) target_semaphore(%arg15 : memref<!tpu.dma_semaphore, #tpu.memory_space<semaphore_mem>>)
      %dma_start3A_13 = arith.constant 0 : i32
      %dma_start3A_14 = tpu.memref_slice %arg9[%dma_start3A_13] : memref<16xf32, #tpu.memory_space<vmem>> -> memref<1xf32, #tpu.memory_space<vmem>>
      %dma_start3A_15 = arith.constant 0 : i32
      %dma_start3A_16 = tpu.memref_slice %arg9[%dma_start3A_15] : memref<16xf32, #tpu.memory_space<vmem>> -> memref<1xf32, #tpu.memory_space<vmem>>
      tpu.enqueue_dma source(%arg4 : memref<1xf32, #tpu.memory_space<hbm>>) target(%dma_start3A_16 : memref<1xf32, #tpu.memory_space<vmem>>) target_semaphore(%arg15 : memref<!tpu.dma_semaphore, #tpu.memory_space<semaphore_mem>>)
      %dma_wait3A = arith.constant 0 : i32
      %dma_wait3A_17 = arith.constant 3968 : i32
      %dma_wait3A_18 = tpu.memref_slice %arg2[%dma_wait3A, %dma_wait3A_17] : memref<3x4096xi32, #tpu.memory_space<hbm>> -> memref<3x128xi32, #tpu.memory_space<hbm>>
      %dma_wait3A_19 = arith.constant 0 : i32
      %dma_wait3A_20 = arith.constant 3968 : i32
      %dma_wait3A_21 = tpu.memref_slice %arg2[%dma_wait3A_19, %dma_wait3A_20] : memref<3x4096xi32, #tpu.memory_space<hbm>> -> memref<3x128xi32, #tpu.memory_space<hbm>>
      tpu.wait_dma2 semaphore(%arg15 : memref<!tpu.dma_semaphore, #tpu.memory_space<semaphore_mem>>) src(%dma_wait3A_21 : memref<3x128xi32, #tpu.memory_space<hbm>>) dst(%arg7 : memref<3x128xi32, #tpu.memory_space<vmem>>)
      %dma_wait3A_22 = arith.constant 0 : i32
      %dma_wait3A_23 = tpu.memref_slice %arg8[%dma_wait3A_22] : memref<16xi32, #tpu.memory_space<vmem>> -> memref<1xi32, #tpu.memory_space<vmem>>
      %dma_wait3A_24 = arith.constant 0 : i32
      %dma_wait3A_25 = tpu.memref_slice %arg8[%dma_wait3A_24] : memref<16xi32, #tpu.memory_space<vmem>> -> memref<1xi32, #tpu.memory_space<vmem>>
      tpu.wait_dma2 semaphore(%arg15 : memref<!tpu.dma_semaphore, #tpu.memory_space<semaphore_mem>>) src(%arg3 : memref<1xi32, #tpu.memory_space<hbm>>) dst(%dma_wait3A_25 : memref<1xi32, #tpu.memory_space<vmem>>)
      %dma_wait3A_26 = arith.constant 0 : i32
      %dma_wait3A_27 = tpu.memref_slice %arg9[%dma_wait3A_26] : memref<16xf32, #tpu.memory_space<vmem>> -> memref<1xf32, #tpu.memory_space<vmem>>
      %dma_wait3A_28 = arith.constant 0 : i32
      %dma_wait3A_29 = tpu.memref_slice %arg9[%dma_wait3A_28] : memref<16xf32, #tpu.memory_space<vmem>> -> memref<1xf32, #tpu.memory_space<vmem>>
      tpu.wait_dma2 semaphore(%arg15 : memref<!tpu.dma_semaphore, #tpu.memory_space<semaphore_mem>>) src(%arg4 : memref<1xf32, #tpu.memory_space<hbm>>) dst(%dma_wait3A_29 : memref<1xf32, #tpu.memory_space<vmem>>)
      %iota3A = tpu.iota {dimensions = array<i32: 0>} : vector<16xi32>
      %min3A = arith.constant 2 : i32
      %min3A_30 = vector.broadcast %min3A : i32 to vector<16xi32>
      %min3A_31 = arith.minsi %iota3A, %min3A_30 : vector<16xi32>
      %broadcast_in_dim3A = arith.constant 127 : i32
      %broadcast_in_dim3A_32 = vector.broadcast %broadcast_in_dim3A : i32 to vector<16xi32>
      %gather3A = tpu.vector_load_idx %arg7[%min3A_31, %broadcast_in_dim3A_32] : memref<3x128xi32, #tpu.memory_space<vmem>>[vector<16xi32>, vector<16xi32>], vector<16xi32>,
      %get3A = arith.constant 0 : index
      %get3A_33 = tpu.vector_load %arg8[%get3A] {strides = array<i32>} : memref<16xi32, #tpu.memory_space<vmem>>, vector<16xi32>,
      %get3A_34 = arith.constant 0 : index
      %get3A_35 = tpu.vector_load %arg9[%get3A_34] {strides = array<i32>} : memref<16xf32, #tpu.memory_space<vmem>>, vector<16xf32>,
      %slice3A = vector.extract_strided_slice %get3A_35 {offsets = [0], sizes = [1], strides = [1]} : vector<16xf32> to vector<1xf32>
      %squeeze3A = vector.extract %slice3A[0] : f32 from vector<1xf32>
      %slice3A_36 = vector.extract_strided_slice %gather3A {offsets = [0], sizes = [1], strides = [1]} : vector<16xi32> to vector<1xi32>
      %squeeze3A_37 = vector.extract %slice3A_36[0] : i32 from vector<1xi32>
      %slice3A_38 = vector.extract_strided_slice %gather3A {offsets = [1], sizes = [1], strides = [1]} : vector<16xi32> to vector<1xi32>
      %squeeze3A_39 = vector.extract %slice3A_38[0] : i32 from vector<1xi32>
      %slice3A_40 = vector.extract_strided_slice %gather3A {offsets = [2], sizes = [1], strides = [1]} : vector<16xi32> to vector<1xi32>
      %squeeze3A_41 = vector.extract %slice3A_40[0] : i32 from vector<1xi32>
      %slice3A_42 = vector.extract_strided_slice %get3A_33 {offsets = [0], sizes = [1], strides = [1]} : vector<16xi32> to vector<1xi32>
      %squeeze3A_43 = vector.extract %slice3A_42[0] : i32 from vector<1xi32>
      %and3A_44 = arith.constant -128 : i32
      %and3A_45 = arith.andi %squeeze3A_37, %and3A_44 : i32
      %multiple_of3A = tpu.assume_multiple %and3A_45, 128 : i32
      %sub3A = arith.subi %squeeze3A_37, %multiple_of3A : i32
      %broadcast_in_dim3A_46 = vector.broadcast %sub3A : i32 to vector<16xi32>
      %dma_start3A_47 = arith.constant 0 : i32
      %dma_start3A_48 = tpu.memref_slice %arg5[%dma_start3A_47, %multiple_of3A] : memref<64x1000000xf32, #tpu.memory_space<hbm>> -> memref<64x128xf32, #tpu.memory_space<hbm>>
      %dma_start3A_49 = arith.constant 0 : i32
      %dma_start3A_50 = tpu.memref_slice %arg5[%dma_start3A_49, %multiple_of3A] : memref<64x1000000xf32, #tpu.memory_space<hbm>> -> memref<64x128xf32, #tpu.memory_space<hbm>>
      tpu.enqueue_dma source(%dma_start3A_50 : memref<64x128xf32, #tpu.memory_space<hbm>>) target(%arg10 : memref<64x128xf32, #tpu.memory_space<vmem>>) target_semaphore(%arg15 : memref<!tpu.dma_semaphore, #tpu.memory_space<semaphore_mem>>)
      %and3A_51 = arith.constant -128 : i32
      %and3A_52 = arith.andi %squeeze3A_39, %and3A_51 : i32
      %multiple_of3A_53 = tpu.assume_multiple %and3A_52, 128 : i32
      %sub3A_54 = arith.subi %squeeze3A_39, %multiple_of3A_53 : i32
      %broadcast_in_dim3A_55 = vector.broadcast %sub3A_54 : i32 to vector<16xi32>
      %dma_start3A_56 = arith.constant 0 : i32
      %dma_start3A_57 = tpu.memref_slice %arg5[%dma_start3A_56, %multiple_of3A_53] : memref<64x1000000xf32, #tpu.memory_space<hbm>> -> memref<64x128xf32, #tpu.memory_space<hbm>>
      %dma_start3A_58 = arith.constant 0 : i32
      %dma_start3A_59 = tpu.memref_slice %arg5[%dma_start3A_58, %multiple_of3A_53] : memref<64x1000000xf32, #tpu.memory_space<hbm>> -> memref<64x128xf32, #tpu.memory_space<hbm>>
      tpu.enqueue_dma source(%dma_start3A_59 : memref<64x128xf32, #tpu.memory_space<hbm>>) target(%arg11 : memref<64x128xf32, #tpu.memory_space<vmem>>) target_semaphore(%arg15 : memref<!tpu.dma_semaphore, #tpu.memory_space<semaphore_mem>>)
      %and3A_60 = arith.constant -128 : i32
      %and3A_61 = arith.andi %squeeze3A_41, %and3A_60 : i32
      %multiple_of3A_62 = tpu.assume_multiple %and3A_61, 128 : i32
      %sub3A_63 = arith.subi %squeeze3A_41, %multiple_of3A_62 : i32
      %broadcast_in_dim3A_64 = vector.broadcast %sub3A_63 : i32 to vector<16xi32>
      %dma_start3A_65 = arith.constant 0 : i32
      %dma_start3A_66 = tpu.memref_slice %arg5[%dma_start3A_65, %multiple_of3A_62] : memref<64x1000000xf32, #tpu.memory_space<hbm>> -> memref<64x128xf32, #tpu.memory_space<hbm>>
      %dma_start3A_67 = arith.constant 0 : i32
      %dma_start3A_68 = tpu.memref_slice %arg5[%dma_start3A_67, %multiple_of3A_62] : memref<64x1000000xf32, #tpu.memory_space<hbm>> -> memref<64x128xf32, #tpu.memory_space<hbm>>
      tpu.enqueue_dma source(%dma_start3A_68 : memref<64x128xf32, #tpu.memory_space<hbm>>) target(%arg12 : memref<64x128xf32, #tpu.memory_space<vmem>>) target_semaphore(%arg15 : memref<!tpu.dma_semaphore, #tpu.memory_space<semaphore_mem>>)
      %and3A_69 = arith.constant -128 : i32
      %and3A_70 = arith.andi %squeeze3A_43, %and3A_69 : i32
      %multiple_of3A_71 = tpu.assume_multiple %and3A_70, 128 : i32
      %sub3A_72 = arith.subi %squeeze3A_43, %multiple_of3A_71 : i32
      %broadcast_in_dim3A_73 = vector.broadcast %sub3A_72 : i32 to vector<16xi32>
      %dma_start3A_74 = arith.constant 0 : i32
      %dma_start3A_75 = tpu.memref_slice %arg5[%dma_start3A_74, %multiple_of3A_71] : memref<64x1000000xf32, #tpu.memory_space<hbm>> -> memref<64x128xf32, #tpu.memory_space<hbm>>
      %dma_start3A_76 = arith.constant 0 : i32
      %dma_start3A_77 = tpu.memref_slice %arg5[%dma_start3A_76, %multiple_of3A_71] : memref<64x1000000xf32, #tpu.memory_space<hbm>> -> memref<64x128xf32, #tpu.memory_space<hbm>>
      tpu.enqueue_dma source(%dma_start3A_77 : memref<64x128xf32, #tpu.memory_space<hbm>>) target(%arg13 : memref<64x128xf32, #tpu.memory_space<vmem>>) target_semaphore(%arg15 : memref<!tpu.dma_semaphore, #tpu.memory_space<semaphore_mem>>)
      %dma_wait3A_78 = arith.constant 0 : i32
      %dma_wait3A_79 = tpu.memref_slice %arg5[%dma_wait3A_78, %multiple_of3A] : memref<64x1000000xf32, #tpu.memory_space<hbm>> -> memref<64x128xf32, #tpu.memory_space<hbm>>
      %dma_wait3A_80 = arith.constant 0 : i32
      %dma_wait3A_81 = tpu.memref_slice %arg5[%dma_wait3A_80, %multiple_of3A] : memref<64x1000000xf32, #tpu.memory_space<hbm>> -> memref<64x128xf32, #tpu.memory_space<hbm>>
      tpu.wait_dma2 semaphore(%arg15 : memref<!tpu.dma_semaphore, #tpu.memory_space<semaphore_mem>>) src(%dma_wait3A_81 : memref<64x128xf32, #tpu.memory_space<hbm>>) dst(%arg10 : memref<64x128xf32, #tpu.memory_space<vmem>>)
      %dma_wait3A_82 = arith.constant 0 : i32
      %dma_wait3A_83 = tpu.memref_slice %arg5[%dma_wait3A_82, %multiple_of3A_53] : memref<64x1000000xf32, #tpu.memory_space<hbm>> -> memref<64x128xf32, #tpu.memory_space<hbm>>
      %dma_wait3A_84 = arith.constant 0 : i32
      %dma_wait3A_85 = tpu.memref_slice %arg5[%dma_wait3A_84, %multiple_of3A_53] : memref<64x1000000xf32, #tpu.memory_space<hbm>> -> memref<64x128xf32, #tpu.memory_space<hbm>>
      tpu.wait_dma2 semaphore(%arg15 : memref<!tpu.dma_semaphore, #tpu.memory_space<semaphore_mem>>) src(%dma_wait3A_85 : memref<64x128xf32, #tpu.memory_space<hbm>>) dst(%arg11 : memref<64x128xf32, #tpu.memory_space<vmem>>)
      %dma_wait3A_86 = arith.constant 0 : i32
      %dma_wait3A_87 = tpu.memref_slice %arg5[%dma_wait3A_86, %multiple_of3A_62] : memref<64x1000000xf32, #tpu.memory_space<hbm>> -> memref<64x128xf32, #tpu.memory_space<hbm>>
      %dma_wait3A_88 = arith.constant 0 : i32
      %dma_wait3A_89 = tpu.memref_slice %arg5[%dma_wait3A_88, %multiple_of3A_62] : memref<64x1000000xf32, #tpu.memory_space<hbm>> -> memref<64x128xf32, #tpu.memory_space<hbm>>
      tpu.wait_dma2 semaphore(%arg15 : memref<!tpu.dma_semaphore, #tpu.memory_space<semaphore_mem>>) src(%dma_wait3A_89 : memref<64x128xf32, #tpu.memory_space<hbm>>) dst(%arg12 : memref<64x128xf32, #tpu.memory_space<vmem>>)
      %dma_wait3A_90 = arith.constant 0 : i32
      %dma_wait3A_91 = tpu.memref_slice %arg5[%dma_wait3A_90, %multiple_of3A_71] : memref<64x1000000xf32, #tpu.memory_space<hbm>> -> memref<64x128xf32, #tpu.memory_space<hbm>>
      %dma_wait3A_92 = arith.constant 0 : i32
      %dma_wait3A_93 = tpu.memref_slice %arg5[%dma_wait3A_92, %multiple_of3A_71] : memref<64x1000000xf32, #tpu.memory_space<hbm>> -> memref<64x128xf32, #tpu.memory_space<hbm>>
      tpu.wait_dma2 semaphore(%arg15 : memref<!tpu.dma_semaphore, #tpu.memory_space<semaphore_mem>>) src(%dma_wait3A_93 : memref<64x128xf32, #tpu.memory_space<hbm>>) dst(%arg13 : memref<64x128xf32, #tpu.memory_space<vmem>>)
      %iota3A_94 = tpu.iota {dimensions = array<i32: 0>} : vector<16xi32>
      %broadcast_in_dim3A_95 = arith.constant 0.000000e+00 : f32
      %broadcast_in_dim3A_96 = vector.broadcast %broadcast_in_dim3A_95 : f32 to vector<16xf32>
      %add3A = arith.constant 0 : i32
      %add3A_97 = vector.broadcast %add3A : i32 to vector<16xi32>
      %add3A_98 = arith.addi %iota3A_94, %add3A_97 : vector<16xi32>
      %gather3A_99 = tpu.vector_load_idx %arg10[%add3A_98, %broadcast_in_dim3A_46] : memref<64x128xf32, #tpu.memory_space<vmem>>[vector<16xi32>, vector<16xi32>], vector<16xf32>,
      %add3A_100 = arith.constant 0 : i32
      %add3A_101 = vector.broadcast %add3A_100 : i32 to vector<16xi32>
      %add3A_102 = arith.addi %iota3A_94, %add3A_101 : vector<16xi32>
      %gather3A_103 = tpu.vector_load_idx %arg11[%add3A_102, %broadcast_in_dim3A_55] : memref<64x128xf32, #tpu.memory_space<vmem>>[vector<16xi32>, vector<16xi32>], vector<16xf32>,
      %add3A_104 = arith.constant 0 : i32
      %add3A_105 = vector.broadcast %add3A_104 : i32 to vector<16xi32>
      %add3A_106 = arith.addi %iota3A_94, %add3A_105 : vector<16xi32>
      %gather3A_107 = tpu.vector_load_idx %arg12[%add3A_106, %broadcast_in_dim3A_64] : memref<64x128xf32, #tpu.memory_space<vmem>>[vector<16xi32>, vector<16xi32>], vector<16xf32>,
      %add3A_108 = arith.constant 0 : i32
      %add3A_109 = vector.broadcast %add3A_108 : i32 to vector<16xi32>
      %add3A_110 = arith.addi %iota3A_94, %add3A_109 : vector<16xi32>
      %gather3A_111 = tpu.vector_load_idx %arg13[%add3A_110, %broadcast_in_dim3A_73] : memref<64x128xf32, #tpu.memory_space<vmem>>[vector<16xi32>, vector<16xi32>], vector<16xf32>,
      %mul3A = arith.mulf %gather3A_99, %gather3A_99 : vector<16xf32>
      %add3A_112 = arith.addf %broadcast_in_dim3A_96, %mul3A : vector<16xf32>
      %mul3A_113 = arith.mulf %gather3A_107, %gather3A_107 : vector<16xf32>
      %add3A_114 = arith.addf %broadcast_in_dim3A_96, %mul3A_113 : vector<16xf32>
      %mul3A_115 = arith.mulf %gather3A_111, %gather3A_111 : vector<16xf32>
      %add3A_116 = arith.addf %broadcast_in_dim3A_96, %mul3A_115 : vector<16xf32>
      %add3A_117 = arith.constant 16 : i32
      %add3A_118 = vector.broadcast %add3A_117 : i32 to vector<16xi32>
      %add3A_119 = arith.addi %iota3A_94, %add3A_118 : vector<16xi32>
      %gather3A_120 = tpu.vector_load_idx %arg10[%add3A_119, %broadcast_in_dim3A_46] : memref<64x128xf32, #tpu.memory_space<vmem>>[vector<16xi32>, vector<16xi32>], vector<16xf32>,
      %add3A_121 = arith.constant 16 : i32
      %add3A_122 = vector.broadcast %add3A_121 : i32 to vector<16xi32>
      %add3A_123 = arith.addi %iota3A_94, %add3A_122 : vector<16xi32>
      %gather3A_124 = tpu.vector_load_idx %arg11[%add3A_123, %broadcast_in_dim3A_55] : memref<64x128xf32, #tpu.memory_space<vmem>>[vector<16xi32>, vector<16xi32>], vector<16xf32>,
      %add3A_125 = arith.constant 16 : i32
      %add3A_126 = vector.broadcast %add3A_125 : i32 to vector<16xi32>
      %add3A_127 = arith.addi %iota3A_94, %add3A_126 : vector<16xi32>
      %gather3A_128 = tpu.vector_load_idx %arg12[%add3A_127, %broadcast_in_dim3A_64] : memref<64x128xf32, #tpu.memory_space<vmem>>[vector<16xi32>, vector<16xi32>], vector<16xf32>,
      %add3A_129 = arith.constant 16 : i32
      %add3A_130 = vector.broadcast %add3A_129 : i32 to vector<16xi32>
      %add3A_131 = arith.addi %iota3A_94, %add3A_130 : vector<16xi32>
      %gather3A_132 = tpu.vector_load_idx %arg13[%add3A_131, %broadcast_in_dim3A_73] : memref<64x128xf32, #tpu.memory_space<vmem>>[vector<16xi32>, vector<16xi32>], vector<16xf32>,
      %mul3A_133 = arith.mulf %gather3A_120, %gather3A_120 : vector<16xf32>
      %add3A_134 = arith.addf %add3A_112, %mul3A_133 : vector<16xf32>
      %mul3A_135 = arith.mulf %gather3A_128, %gather3A_128 : vector<16xf32>
      %add3A_136 = arith.addf %add3A_114, %mul3A_135 : vector<16xf32>
      %mul3A_137 = arith.mulf %gather3A_132, %gather3A_132 : vector<16xf32>
      %add3A_138 = arith.addf %add3A_116, %mul3A_137 : vector<16xf32>
      %add3A_139 = arith.constant 32 : i32
      %add3A_140 = vector.broadcast %add3A_139 : i32 to vector<16xi32>
      %add3A_141 = arith.addi %iota3A_94, %add3A_140 : vector<16xi32>
      %gather3A_142 = tpu.vector_load_idx %arg10[%add3A_141, %broadcast_in_dim3A_46] : memref<64x128xf32, #tpu.memory_space<vmem>>[vector<16xi32>, vector<16xi32>], vector<16xf32>,
      %add3A_143 = arith.constant 32 : i32
      %add3A_144 = vector.broadcast %add3A_143 : i32 to vector<16xi32>
      %add3A_145 = arith.addi %iota3A_94, %add3A_144 : vector<16xi32>
      %gather3A_146 = tpu.vector_load_idx %arg11[%add3A_145, %broadcast_in_dim3A_55] : memref<64x128xf32, #tpu.memory_space<vmem>>[vector<16xi32>, vector<16xi32>], vector<16xf32>,
      %add3A_147 = arith.constant 32 : i32
      %add3A_148 = vector.broadcast %add3A_147 : i32 to vector<16xi32>
      %add3A_149 = arith.addi %iota3A_94, %add3A_148 : vector<16xi32>
      %gather3A_150 = tpu.vector_load_idx %arg12[%add3A_149, %broadcast_in_dim3A_64] : memref<64x128xf32, #tpu.memory_space<vmem>>[vector<16xi32>, vector<16xi32>], vector<16xf32>,
      %add3A_151 = arith.constant 32 : i32
      %add3A_152 = vector.broadcast %add3A_151 : i32 to vector<16xi32>
      %add3A_153 = arith.addi %iota3A_94, %add3A_152 : vector<16xi32>
      %gather3A_154 = tpu.vector_load_idx %arg13[%add3A_153, %broadcast_in_dim3A_73] : memref<64x128xf32, #tpu.memory_space<vmem>>[vector<16xi32>, vector<16xi32>], vector<16xf32>,
      %mul3A_155 = arith.mulf %gather3A_142, %gather3A_142 : vector<16xf32>
      %add3A_156 = arith.addf %add3A_134, %mul3A_155 : vector<16xf32>
      %mul3A_157 = arith.mulf %gather3A_150, %gather3A_150 : vector<16xf32>
      %add3A_158 = arith.addf %add3A_136, %mul3A_157 : vector<16xf32>
      %mul3A_159 = arith.mulf %gather3A_154, %gather3A_154 : vector<16xf32>
      %add3A_160 = arith.addf %add3A_138, %mul3A_159 : vector<16xf32>
      %add3A_161 = arith.constant 48 : i32
      %add3A_162 = vector.broadcast %add3A_161 : i32 to vector<16xi32>
      %add3A_163 = arith.addi %iota3A_94, %add3A_162 : vector<16xi32>
      %gather3A_164 = tpu.vector_load_idx %arg10[%add3A_163, %broadcast_in_dim3A_46] : memref<64x128xf32, #tpu.memory_space<vmem>>[vector<16xi32>, vector<16xi32>], vector<16xf32>,
      %add3A_165 = arith.constant 48 : i32
      %add3A_166 = vector.broadcast %add3A_165 : i32 to vector<16xi32>
      %add3A_167 = arith.addi %iota3A_94, %add3A_166 : vector<16xi32>
      %gather3A_168 = tpu.vector_load_idx %arg11[%add3A_167, %broadcast_in_dim3A_55] : memref<64x128xf32, #tpu.memory_space<vmem>>[vector<16xi32>, vector<16xi32>], vector<16xf32>,
      %add3A_169 = arith.constant 48 : i32
      %add3A_170 = vector.broadcast %add3A_169 : i32 to vector<16xi32>
      %add3A_171 = arith.addi %iota3A_94, %add3A_170 : vector<16xi32>
      %gather3A_172 = tpu.vector_load_idx %arg12[%add3A_171, %broadcast_in_dim3A_64] : memref<64x128xf32, #tpu.memory_space<vmem>>[vector<16xi32>, vector<16xi32>], vector<16xf32>,
      %add3A_173 = arith.constant 48 : i32
      %add3A_174 = vector.broadcast %add3A_173 : i32 to vector<16xi32>
      %add3A_175 = arith.addi %iota3A_94, %add3A_174 : vector<16xi32>
      %gather3A_176 = tpu.vector_load_idx %arg13[%add3A_175, %broadcast_in_dim3A_73] : memref<64x128xf32, #tpu.memory_space<vmem>>[vector<16xi32>, vector<16xi32>], vector<16xf32>,
      %mul3A_177 = arith.mulf %gather3A_164, %gather3A_164 : vector<16xf32>
      %add3A_178 = arith.addf %add3A_156, %mul3A_177 : vector<16xf32>
      %mul3A_179 = arith.mulf %gather3A_172, %gather3A_172 : vector<16xf32>
      %add3A_180 = arith.addf %add3A_158, %mul3A_179 : vector<16xf32>
      %mul3A_181 = arith.mulf %gather3A_176, %gather3A_176 : vector<16xf32>
      %add3A_182 = arith.addf %add3A_160, %mul3A_181 : vector<16xf32>
      %iota3A_183 = tpu.iota {dimensions = array<i32: 0>} : vector<16xi32>
      %xor3A = arith.constant 8 : i32
      %xor3A_184 = vector.broadcast %xor3A : i32 to vector<16xi32>
      %xor3A_185 = arith.xori %iota3A_183, %xor3A_184 : vector<16xi32>
      %reshape3A = vector.shape_cast %xor3A_185 : vector<16xi32> to vector<16x1xi32>
      %gather3A_186 = vector.shape_cast %reshape3A : vector<16x1xi32> to vector<16xi32>
      %gather3A_187 = tpu.dynamic_gather %add3A_178[%gather3A_186] in [0] : vector<16xf32>, vector<16xi32> -> vector<16xf32>
      %add3A_188 = arith.addf %add3A_178, %gather3A_187 : vector<16xf32>
      %xor3A_189 = arith.constant 4 : i32
      %xor3A_190 = vector.broadcast %xor3A_189 : i32 to vector<16xi32>
      %xor3A_191 = arith.xori %iota3A_183, %xor3A_190 : vector<16xi32>
      %reshape3A_192 = vector.shape_cast %xor3A_191 : vector<16xi32> to vector<16x1xi32>
      %gather3A_193 = vector.shape_cast %reshape3A_192 : vector<16x1xi32> to vector<16xi32>
      %gather3A_194 = tpu.dynamic_gather %add3A_188[%gather3A_193] in [0] : vector<16xf32>, vector<16xi32> -> vector<16xf32>
      %add3A_195 = arith.addf %add3A_188, %gather3A_194 : vector<16xf32>
      %xor3A_196 = arith.constant 2 : i32
      %xor3A_197 = vector.broadcast %xor3A_196 : i32 to vector<16xi32>
      %xor3A_198 = arith.xori %iota3A_183, %xor3A_197 : vector<16xi32>
      %reshape3A_199 = vector.shape_cast %xor3A_198 : vector<16xi32> to vector<16x1xi32>
      %gather3A_200 = vector.shape_cast %reshape3A_199 : vector<16x1xi32> to vector<16xi32>
      %gather3A_201 = tpu.dynamic_gather %add3A_195[%gather3A_200] in [0] : vector<16xf32>, vector<16xi32> -> vector<16xf32>
      %add3A_202 = arith.addf %add3A_195, %gather3A_201 : vector<16xf32>
      %xor3A_203 = arith.constant 1 : i32
      %xor3A_204 = vector.broadcast %xor3A_203 : i32 to vector<16xi32>
      %xor3A_205 = arith.xori %iota3A_183, %xor3A_204 : vector<16xi32>
      %reshape3A_206 = vector.shape_cast %xor3A_205 : vector<16xi32> to vector<16x1xi32>
      %gather3A_207 = vector.shape_cast %reshape3A_206 : vector<16x1xi32> to vector<16xi32>
      %gather3A_208 = tpu.dynamic_gather %add3A_202[%gather3A_207] in [0] : vector<16xf32>, vector<16xi32> -> vector<16xf32>
      %add3A_209 = arith.addf %add3A_202, %gather3A_208 : vector<16xf32>
      %bitcast_convert_type3A = tpu.bitcast %add3A_209 : vector<16xf32> -> vector<16xi32>
      %shift_right_logical3A = arith.constant 1 : i32
      %shift_right_logical3A_210 = vector.broadcast %shift_right_logical3A : i32 to vector<16xi32>
      %shift_right_logical3A_211 = arith.shrui %bitcast_convert_type3A, %shift_right_logical3A_210 : vector<16xi32>
      %sub3A_212 = arith.constant 1597463007 : i32
      %sub3A_213 = vector.broadcast %sub3A_212 : i32 to vector<16xi32>
      %sub3A_214 = arith.subi %sub3A_213, %shift_right_logical3A_211 : vector<16xi32>
      %bitcast_convert_type3A_215 = tpu.bitcast %sub3A_214 : vector<16xi32> -> vector<16xf32>
      %mul3A_216 = arith.constant 5.000000e-01 : f32
      %mul3A_217 = vector.broadcast %mul3A_216 : f32 to vector<16xf32>
      %mul3A_218 = arith.mulf %add3A_209, %mul3A_217 : vector<16xf32>
      %mul3A_219 = arith.mulf %mul3A_218, %bitcast_convert_type3A_215 : vector<16xf32>
      %mul3A_220 = arith.mulf %mul3A_219, %bitcast_convert_type3A_215 : vector<16xf32>
      %sub3A_221 = arith.constant 1.500000e+00 : f32
      %sub3A_222 = vector.broadcast %sub3A_221 : f32 to vector<16xf32>
      %sub3A_223 = arith.subf %sub3A_222, %mul3A_220 : vector<16xf32>
      %mul3A_224 = arith.mulf %bitcast_convert_type3A_215, %sub3A_223 : vector<16xf32>
      %mul3A_225 = arith.mulf %mul3A_218, %mul3A_224 : vector<16xf32>
      %mul3A_226 = arith.mulf %mul3A_225, %mul3A_224 : vector<16xf32>
      %sub3A_227 = arith.constant 1.500000e+00 : f32
      %sub3A_228 = vector.broadcast %sub3A_227 : f32 to vector<16xf32>
      %sub3A_229 = arith.subf %sub3A_228, %mul3A_226 : vector<16xf32>
      %mul3A_230 = arith.mulf %mul3A_224, %sub3A_229 : vector<16xf32>
      %mul3A_231 = arith.mulf %mul3A_218, %mul3A_230 : vector<16xf32>
      %mul3A_232 = arith.mulf %mul3A_231, %mul3A_230 : vector<16xf32>
      %sub3A_233 = arith.constant 1.500000e+00 : f32
      %sub3A_234 = vector.broadcast %sub3A_233 : f32 to vector<16xf32>
      %sub3A_235 = arith.subf %sub3A_234, %mul3A_232 : vector<16xf32>
      %mul3A_236 = arith.mulf %mul3A_230, %sub3A_235 : vector<16xf32>
      %min3A_237 = arith.constant 9.99999995E+11 : f32
      %min3A_238 = vector.broadcast %min3A_237 : f32 to vector<16xf32>
      %min3A_239 = arith.minimumf %mul3A_236, %min3A_238 : vector<16xf32>
      %iota3A_240 = tpu.iota {dimensions = array<i32: 0>} : vector<16xi32>
      %xor3A_241 = arith.constant 8 : i32
      %xor3A_242 = vector.broadcast %xor3A_241 : i32 to vector<16xi32>
      %xor3A_243 = arith.xori %iota3A_240, %xor3A_242 : vector<16xi32>
      %reshape3A_244 = vector.shape_cast %xor3A_243 : vector<16xi32> to vector<16x1xi32>
      %gather3A_245 = vector.shape_cast %reshape3A_244 : vector<16x1xi32> to vector<16xi32>
      %gather3A_246 = tpu.dynamic_gather %add3A_180[%gather3A_245] in [0] : vector<16xf32>, vector<16xi32> -> vector<16xf32>
      %add3A_247 = arith.addf %add3A_180, %gather3A_246 : vector<16xf32>
      %xor3A_248 = arith.constant 4 : i32
      %xor3A_249 = vector.broadcast %xor3A_248 : i32 to vector<16xi32>
      %xor3A_250 = arith.xori %iota3A_240, %xor3A_249 : vector<16xi32>
      %reshape3A_251 = vector.shape_cast %xor3A_250 : vector<16xi32> to vector<16x1xi32>
      %gather3A_252 = vector.shape_cast %reshape3A_251 : vector<16x1xi32> to vector<16xi32>
      %gather3A_253 = tpu.dynamic_gather %add3A_247[%gather3A_252] in [0] : vector<16xf32>, vector<16xi32> -> vector<16xf32>
      %add3A_254 = arith.addf %add3A_247, %gather3A_253 : vector<16xf32>
      %xor3A_255 = arith.constant 2 : i32
      %xor3A_256 = vector.broadcast %xor3A_255 : i32 to vector<16xi32>
      %xor3A_257 = arith.xori %iota3A_240, %xor3A_256 : vector<16xi32>
      %reshape3A_258 = vector.shape_cast %xor3A_257 : vector<16xi32> to vector<16x1xi32>
      %gather3A_259 = vector.shape_cast %reshape3A_258 : vector<16x1xi32> to vector<16xi32>
      %gather3A_260 = tpu.dynamic_gather %add3A_254[%gather3A_259] in [0] : vector<16xf32>, vector<16xi32> -> vector<16xf32>
      %add3A_261 = arith.addf %add3A_254, %gather3A_260 : vector<16xf32>
      %xor3A_262 = arith.constant 1 : i32
      %xor3A_263 = vector.broadcast %xor3A_262 : i32 to vector<16xi32>
      %xor3A_264 = arith.xori %iota3A_240, %xor3A_263 : vector<16xi32>
      %reshape3A_265 = vector.shape_cast %xor3A_264 : vector<16xi32> to vector<16x1xi32>
      %gather3A_266 = vector.shape_cast %reshape3A_265 : vector<16x1xi32> to vector<16xi32>
      %gather3A_267 = tpu.dynamic_gather %add3A_261[%gather3A_266] in [0] : vector<16xf32>, vector<16xi32> -> vector<16xf32>
      %add3A_268 = arith.addf %add3A_261, %gather3A_267 : vector<16xf32>
      %bitcast_convert_type3A_269 = tpu.bitcast %add3A_268 : vector<16xf32> -> vector<16xi32>
      %shift_right_logical3A_270 = arith.constant 1 : i32
      %shift_right_logical3A_271 = vector.broadcast %shift_right_logical3A_270 : i32 to vector<16xi32>
      %shift_right_logical3A_272 = arith.shrui %bitcast_convert_type3A_269, %shift_right_logical3A_271 : vector<16xi32>
      %sub3A_273 = arith.constant 1597463007 : i32
      %sub3A_274 = vector.broadcast %sub3A_273 : i32 to vector<16xi32>
      %sub3A_275 = arith.subi %sub3A_274, %shift_right_logical3A_272 : vector<16xi32>
      %bitcast_convert_type3A_276 = tpu.bitcast %sub3A_275 : vector<16xi32> -> vector<16xf32>
      %mul3A_277 = arith.constant 5.000000e-01 : f32
      %mul3A_278 = vector.broadcast %mul3A_277 : f32 to vector<16xf32>
      %mul3A_279 = arith.mulf %add3A_268, %mul3A_278 : vector<16xf32>
      %mul3A_280 = arith.mulf %mul3A_279, %bitcast_convert_type3A_276 : vector<16xf32>
      %mul3A_281 = arith.mulf %mul3A_280, %bitcast_convert_type3A_276 : vector<16xf32>
      %sub3A_282 = arith.constant 1.500000e+00 : f32
      %sub3A_283 = vector.broadcast %sub3A_282 : f32 to vector<16xf32>
      %sub3A_284 = arith.subf %sub3A_283, %mul3A_281 : vector<16xf32>
      %mul3A_285 = arith.mulf %bitcast_convert_type3A_276, %sub3A_284 : vector<16xf32>
      %mul3A_286 = arith.mulf %mul3A_279, %mul3A_285 : vector<16xf32>
      %mul3A_287 = arith.mulf %mul3A_286, %mul3A_285 : vector<16xf32>
      %sub3A_288 = arith.constant 1.500000e+00 : f32
      %sub3A_289 = vector.broadcast %sub3A_288 : f32 to vector<16xf32>
      %sub3A_290 = arith.subf %sub3A_289, %mul3A_287 : vector<16xf32>
      %mul3A_291 = arith.mulf %mul3A_285, %sub3A_290 : vector<16xf32>
      %mul3A_292 = arith.mulf %mul3A_279, %mul3A_291 : vector<16xf32>
      %mul3A_293 = arith.mulf %mul3A_292, %mul3A_291 : vector<16xf32>
      %sub3A_294 = arith.constant 1.500000e+00 : f32
      %sub3A_295 = vector.broadcast %sub3A_294 : f32 to vector<16xf32>
      %sub3A_296 = arith.subf %sub3A_295, %mul3A_293 : vector<16xf32>
      %mul3A_297 = arith.mulf %mul3A_291, %sub3A_296 : vector<16xf32>
      %min3A_298 = arith.constant 9.99999995E+11 : f32
      %min3A_299 = vector.broadcast %min3A_298 : f32 to vector<16xf32>
      %min3A_300 = arith.minimumf %mul3A_297, %min3A_299 : vector<16xf32>
      %iota3A_301 = tpu.iota {dimensions = array<i32: 0>} : vector<16xi32>
      %xor3A_302 = arith.constant 8 : i32
      %xor3A_303 = vector.broadcast %xor3A_302 : i32 to vector<16xi32>
      %xor3A_304 = arith.xori %iota3A_301, %xor3A_303 : vector<16xi32>
      %reshape3A_305 = vector.shape_cast %xor3A_304 : vector<16xi32> to vector<16x1xi32>
      %gather3A_306 = vector.shape_cast %reshape3A_305 : vector<16x1xi32> to vector<16xi32>
      %gather3A_307 = tpu.dynamic_gather %add3A_182[%gather3A_306] in [0] : vector<16xf32>, vector<16xi32> -> vector<16xf32>
      %add3A_308 = arith.addf %add3A_182, %gather3A_307 : vector<16xf32>
      %xor3A_309 = arith.constant 4 : i32
      %xor3A_310 = vector.broadcast %xor3A_309 : i32 to vector<16xi32>
      %xor3A_311 = arith.xori %iota3A_301, %xor3A_310 : vector<16xi32>
      %reshape3A_312 = vector.shape_cast %xor3A_311 : vector<16xi32> to vector<16x1xi32>
      %gather3A_313 = vector.shape_cast %reshape3A_312 : vector<16x1xi32> to vector<16xi32>
      %gather3A_314 = tpu.dynamic_gather %add3A_308[%gather3A_313] in [0] : vector<16xf32>, vector<16xi32> -> vector<16xf32>
      %add3A_315 = arith.addf %add3A_308, %gather3A_314 : vector<16xf32>
      %xor3A_316 = arith.constant 2 : i32
      %xor3A_317 = vector.broadcast %xor3A_316 : i32 to vector<16xi32>
      %xor3A_318 = arith.xori %iota3A_301, %xor3A_317 : vector<16xi32>
      %reshape3A_319 = vector.shape_cast %xor3A_318 : vector<16xi32> to vector<16x1xi32>
      %gather3A_320 = vector.shape_cast %reshape3A_319 : vector<16x1xi32> to vector<16xi32>
      %gather3A_321 = tpu.dynamic_gather %add3A_315[%gather3A_320] in [0] : vector<16xf32>, vector<16xi32> -> vector<16xf32>
      %add3A_322 = arith.addf %add3A_315, %gather3A_321 : vector<16xf32>
      %xor3A_323 = arith.constant 1 : i32
      %xor3A_324 = vector.broadcast %xor3A_323 : i32 to vector<16xi32>
      %xor3A_325 = arith.xori %iota3A_301, %xor3A_324 : vector<16xi32>
      %reshape3A_326 = vector.shape_cast %xor3A_325 : vector<16xi32> to vector<16x1xi32>
      %gather3A_327 = vector.shape_cast %reshape3A_326 : vector<16x1xi32> to vector<16xi32>
      %gather3A_328 = tpu.dynamic_gather %add3A_322[%gather3A_327] in [0] : vector<16xf32>, vector<16xi32> -> vector<16xf32>
      %add3A_329 = arith.addf %add3A_322, %gather3A_328 : vector<16xf32>
      %bitcast_convert_type3A_330 = tpu.bitcast %add3A_329 : vector<16xf32> -> vector<16xi32>
      %shift_right_logical3A_331 = arith.constant 1 : i32
      %shift_right_logical3A_332 = vector.broadcast %shift_right_logical3A_331 : i32 to vector<16xi32>
      %shift_right_logical3A_333 = arith.shrui %bitcast_convert_type3A_330, %shift_right_logical3A_332 : vector<16xi32>
      %sub3A_334 = arith.constant 1597463007 : i32
      %sub3A_335 = vector.broadcast %sub3A_334 : i32 to vector<16xi32>
      %sub3A_336 = arith.subi %sub3A_335, %shift_right_logical3A_333 : vector<16xi32>
      %bitcast_convert_type3A_337 = tpu.bitcast %sub3A_336 : vector<16xi32> -> vector<16xf32>
      %mul3A_338 = arith.constant 5.000000e-01 : f32
      %mul3A_339 = vector.broadcast %mul3A_338 : f32 to vector<16xf32>
      %mul3A_340 = arith.mulf %add3A_329, %mul3A_339 : vector<16xf32>
      %mul3A_341 = arith.mulf %mul3A_340, %bitcast_convert_type3A_337 : vector<16xf32>
      %mul3A_342 = arith.mulf %mul3A_341, %bitcast_convert_type3A_337 : vector<16xf32>
      %sub3A_343 = arith.constant 1.500000e+00 : f32
      %sub3A_344 = vector.broadcast %sub3A_343 : f32 to vector<16xf32>
      %sub3A_345 = arith.subf %sub3A_344, %mul3A_342 : vector<16xf32>
      %mul3A_346 = arith.mulf %bitcast_convert_type3A_337, %sub3A_345 : vector<16xf32>
      %mul3A_347 = arith.mulf %mul3A_340, %mul3A_346 : vector<16xf32>
      %mul3A_348 = arith.mulf %mul3A_347, %mul3A_346 : vector<16xf32>
      %sub3A_349 = arith.constant 1.500000e+00 : f32
      %sub3A_350 = vector.broadcast %sub3A_349 : f32 to vector<16xf32>
      %sub3A_351 = arith.subf %sub3A_350, %mul3A_348 : vector<16xf32>
      %mul3A_352 = arith.mulf %mul3A_346, %sub3A_351 : vector<16xf32>
      %mul3A_353 = arith.mulf %mul3A_340, %mul3A_352 : vector<16xf32>
      %mul3A_354 = arith.mulf %mul3A_353, %mul3A_352 : vector<16xf32>
      %sub3A_355 = arith.constant 1.500000e+00 : f32
      %sub3A_356 = vector.broadcast %sub3A_355 : f32 to vector<16xf32>
      %sub3A_357 = arith.subf %sub3A_356, %mul3A_354 : vector<16xf32>
      %mul3A_358 = arith.mulf %mul3A_352, %sub3A_357 : vector<16xf32>
      %min3A_359 = arith.constant 9.99999995E+11 : f32
      %min3A_360 = vector.broadcast %min3A_359 : f32 to vector<16xf32>
      %min3A_361 = arith.minimumf %mul3A_358, %min3A_360 : vector<16xf32>
      %mul3A_362 = arith.mulf %gather3A_107, %min3A_300 : vector<16xf32>
      %sub3A_363 = arith.subf %gather3A_103, %mul3A_362 : vector<16xf32>
      %mul3A_364 = arith.mulf %gather3A_99, %min3A_239 : vector<16xf32>
      %add3A_365 = arith.addf %mul3A_364, %sub3A_363 : vector<16xf32>
      %mul3A_366 = arith.mulf %gather3A_111, %min3A_361 : vector<16xf32>
      %add3A_367 = arith.addf %mul3A_366, %sub3A_363 : vector<16xf32>
      %mul3A_368 = arith.mulf %add3A_365, %add3A_365 : vector<16xf32>
      %add3A_369 = arith.addf %broadcast_in_dim3A_96, %mul3A_368 : vector<16xf32>
      %mul3A_370 = arith.mulf %add3A_367, %add3A_367 : vector<16xf32>
      %add3A_371 = arith.addf %broadcast_in_dim3A_96, %mul3A_370 : vector<16xf32>
      %mul3A_372 = arith.mulf %gather3A_128, %min3A_300 : vector<16xf32>
      %sub3A_373 = arith.subf %gather3A_124, %mul3A_372 : vector<16xf32>
      %mul3A_374 = arith.mulf %gather3A_120, %min3A_239 : vector<16xf32>
      %add3A_375 = arith.addf %mul3A_374, %sub3A_373 : vector<16xf32>
      %mul3A_376 = arith.mulf %gather3A_132, %min3A_361 : vector<16xf32>
      %add3A_377 = arith.addf %mul3A_376, %sub3A_373 : vector<16xf32>
      %mul3A_378 = arith.mulf %add3A_375, %add3A_375 : vector<16xf32>
      %add3A_379 = arith.addf %add3A_369, %mul3A_378 : vector<16xf32>
      %mul3A_380 = arith.mulf %add3A_377, %add3A_377 : vector<16xf32>
      %add3A_381 = arith.addf %add3A_371, %mul3A_380 : vector<16xf32>
      %mul3A_382 = arith.mulf %gather3A_150, %min3A_300 : vector<16xf32>
      %sub3A_383 = arith.subf %gather3A_146, %mul3A_382 : vector<16xf32>
      %mul3A_384 = arith.mulf %gather3A_142, %min3A_239 : vector<16xf32>
      %add3A_385 = arith.addf %mul3A_384, %sub3A_383 : vector<16xf32>
      %mul3A_386 = arith.mulf %gather3A_154, %min3A_361 : vector<16xf32>
      %add3A_387 = arith.addf %mul3A_386, %sub3A_383 : vector<16xf32>
      %mul3A_388 = arith.mulf %add3A_385, %add3A_385 : vector<16xf32>
      %add3A_389 = arith.addf %add3A_379, %mul3A_388 : vector<16xf32>
      %mul3A_390 = arith.mulf %add3A_387, %add3A_387 : vector<16xf32>
      %add3A_391 = arith.addf %add3A_381, %mul3A_390 : vector<16xf32>
      %mul3A_392 = arith.mulf %gather3A_172, %min3A_300 : vector<16xf32>
      %sub3A_393 = arith.subf %gather3A_168, %mul3A_392 : vector<16xf32>
      %mul3A_394 = arith.mulf %gather3A_164, %min3A_239 : vector<16xf32>
      %add3A_395 = arith.addf %mul3A_394, %sub3A_393 : vector<16xf32>
      %mul3A_396 = arith.mulf %gather3A_176, %min3A_361 : vector<16xf32>
      %add3A_397 = arith.addf %mul3A_396, %sub3A_393 : vector<16xf32>
      %mul3A_398 = arith.mulf %add3A_395, %add3A_395 : vector<16xf32>
      %add3A_399 = arith.addf %add3A_389, %mul3A_398 : vector<16xf32>
      %mul3A_400 = arith.mulf %add3A_397, %add3A_397 : vector<16xf32>
      %add3A_401 = arith.addf %add3A_391, %mul3A_400 : vector<16xf32>
      %iota3A_402 = tpu.iota {dimensions = array<i32: 0>} : vector<16xi32>
      %xor3A_403 = arith.constant 8 : i32
      %xor3A_404 = vector.broadcast %xor3A_403 : i32 to vector<16xi32>
      %xor3A_405 = arith.xori %iota3A_402, %xor3A_404 : vector<16xi32>
      %reshape3A_406 = vector.shape_cast %xor3A_405 : vector<16xi32> to vector<16x1xi32>
      %gather3A_407 = vector.shape_cast %reshape3A_406 : vector<16x1xi32> to vector<16xi32>
      %gather3A_408 = tpu.dynamic_gather %add3A_399[%gather3A_407] in [0] : vector<16xf32>, vector<16xi32> -> vector<16xf32>
      %add3A_409 = arith.addf %add3A_399, %gather3A_408 : vector<16xf32>
      %xor3A_410 = arith.constant 4 : i32
      %xor3A_411 = vector.broadcast %xor3A_410 : i32 to vector<16xi32>
      %xor3A_412 = arith.xori %iota3A_402, %xor3A_411 : vector<16xi32>
      %reshape3A_413 = vector.shape_cast %xor3A_412 : vector<16xi32> to vector<16x1xi32>
      %gather3A_414 = vector.shape_cast %reshape3A_413 : vector<16x1xi32> to vector<16xi32>
      %gather3A_415 = tpu.dynamic_gather %add3A_409[%gather3A_414] in [0] : vector<16xf32>, vector<16xi32> -> vector<16xf32>
      %add3A_416 = arith.addf %add3A_409, %gather3A_415 : vector<16xf32>
      %xor3A_417 = arith.constant 2 : i32
      %xor3A_418 = vector.broadcast %xor3A_417 : i32 to vector<16xi32>
      %xor3A_419 = arith.xori %iota3A_402, %xor3A_418 : vector<16xi32>
      %reshape3A_420 = vector.shape_cast %xor3A_419 : vector<16xi32> to vector<16x1xi32>
      %gather3A_421 = vector.shape_cast %reshape3A_420 : vector<16x1xi32> to vector<16xi32>
      %gather3A_422 = tpu.dynamic_gather %add3A_416[%gather3A_421] in [0] : vector<16xf32>, vector<16xi32> -> vector<16xf32>
      %add3A_423 = arith.addf %add3A_416, %gather3A_422 : vector<16xf32>
      %xor3A_424 = arith.constant 1 : i32
      %xor3A_425 = vector.broadcast %xor3A_424 : i32 to vector<16xi32>
      %xor3A_426 = arith.xori %iota3A_402, %xor3A_425 : vector<16xi32>
      %reshape3A_427 = vector.shape_cast %xor3A_426 : vector<16xi32> to vector<16x1xi32>
      %gather3A_428 = vector.shape_cast %reshape3A_427 : vector<16x1xi32> to vector<16xi32>
      %gather3A_429 = tpu.dynamic_gather %add3A_423[%gather3A_428] in [0] : vector<16xf32>, vector<16xi32> -> vector<16xf32>
      %add3A_430 = arith.addf %add3A_423, %gather3A_429 : vector<16xf32>
      %iota3A_431 = tpu.iota {dimensions = array<i32: 0>} : vector<16xi32>
      %xor3A_432 = arith.constant 8 : i32
      %xor3A_433 = vector.broadcast %xor3A_432 : i32 to vector<16xi32>
      %xor3A_434 = arith.xori %iota3A_431, %xor3A_433 : vector<16xi32>
      %reshape3A_435 = vector.shape_cast %xor3A_434 : vector<16xi32> to vector<16x1xi32>
      %gather3A_436 = vector.shape_cast %reshape3A_435 : vector<16x1xi32> to vector<16xi32>
      %gather3A_437 = tpu.dynamic_gather %add3A_401[%gather3A_436] in [0] : vector<16xf32>, vector<16xi32> -> vector<16xf32>
      %add3A_438 = arith.addf %add3A_401, %gather3A_437 : vector<16xf32>
      %xor3A_439 = arith.constant 4 : i32
      %xor3A_440 = vector.broadcast %xor3A_439 : i32 to vector<16xi32>
      %xor3A_441 = arith.xori %iota3A_431, %xor3A_440 : vector<16xi32>
      %reshape3A_442 = vector.shape_cast %xor3A_441 : vector<16xi32> to vector<16x1xi32>
      %gather3A_443 = vector.shape_cast %reshape3A_442 : vector<16x1xi32> to vector<16xi32>
      %gather3A_444 = tpu.dynamic_gather %add3A_438[%gather3A_443] in [0] : vector<16xf32>, vector<16xi32> -> vector<16xf32>
      %add3A_445 = arith.addf %add3A_438, %gather3A_444 : vector<16xf32>
      %xor3A_446 = arith.constant 2 : i32
      %xor3A_447 = vector.broadcast %xor3A_446 : i32 to vector<16xi32>
      %xor3A_448 = arith.xori %iota3A_431, %xor3A_447 : vector<16xi32>
      %reshape3A_449 = vector.shape_cast %xor3A_448 : vector<16xi32> to vector<16x1xi32>
      %gather3A_450 = vector.shape_cast %reshape3A_449 : vector<16x1xi32> to vector<16xi32>
      %gather3A_451 = tpu.dynamic_gather %add3A_445[%gather3A_450] in [0] : vector<16xf32>, vector<16xi32> -> vector<16xf32>
      %add3A_452 = arith.addf %add3A_445, %gather3A_451 : vector<16xf32>
      %xor3A_453 = arith.constant 1 : i32
      %xor3A_454 = vector.broadcast %xor3A_453 : i32 to vector<16xi32>
      %xor3A_455 = arith.xori %iota3A_431, %xor3A_454 : vector<16xi32>
      %reshape3A_456 = vector.shape_cast %xor3A_455 : vector<16xi32> to vector<16x1xi32>
      %gather3A_457 = vector.shape_cast %reshape3A_456 : vector<16x1xi32> to vector<16xi32>
      %gather3A_458 = tpu.dynamic_gather %add3A_452[%gather3A_457] in [0] : vector<16xf32>, vector<16xi32> -> vector<16xf32>
      %add3A_459 = arith.addf %add3A_452, %gather3A_458 : vector<16xf32>
      %gt3A = arith.constant 0.000000e+00 : f32
      %gt3A_460 = vector.broadcast %gt3A : f32 to vector<16xf32>
      %gt3A_461 = arith.cmpf ogt, %add3A_430, %gt3A_460 : vector<16xf32>
      %bitcast_convert_type3A_462 = tpu.bitcast %add3A_430 : vector<16xf32> -> vector<16xi32>
      %shift_right_logical3A_463 = arith.constant 1 : i32
      %shift_right_logical3A_464 = vector.broadcast %shift_right_logical3A_463 : i32 to vector<16xi32>
      %shift_right_logical3A_465 = arith.shrui %bitcast_convert_type3A_462, %shift_right_logical3A_464 : vector<16xi32>
      %sub3A_466 = arith.constant 1597463007 : i32
      %sub3A_467 = vector.broadcast %sub3A_466 : i32 to vector<16xi32>
      %sub3A_468 = arith.subi %sub3A_467, %shift_right_logical3A_465 : vector<16xi32>
      %bitcast_convert_type3A_469 = tpu.bitcast %sub3A_468 : vector<16xi32> -> vector<16xf32>
      %mul3A_470 = arith.constant 5.000000e-01 : f32
      %mul3A_471 = vector.broadcast %mul3A_470 : f32 to vector<16xf32>
      %mul3A_472 = arith.mulf %add3A_430, %mul3A_471 : vector<16xf32>
      %mul3A_473 = arith.mulf %mul3A_472, %bitcast_convert_type3A_469 : vector<16xf32>
      %mul3A_474 = arith.mulf %mul3A_473, %bitcast_convert_type3A_469 : vector<16xf32>
      %sub3A_475 = arith.constant 1.500000e+00 : f32
      %sub3A_476 = vector.broadcast %sub3A_475 : f32 to vector<16xf32>
      %sub3A_477 = arith.subf %sub3A_476, %mul3A_474 : vector<16xf32>
      %mul3A_478 = arith.mulf %bitcast_convert_type3A_469, %sub3A_477 : vector<16xf32>
      %mul3A_479 = arith.mulf %mul3A_472, %mul3A_478 : vector<16xf32>
      %mul3A_480 = arith.mulf %mul3A_479, %mul3A_478 : vector<16xf32>
      %sub3A_481 = arith.constant 1.500000e+00 : f32
      %sub3A_482 = vector.broadcast %sub3A_481 : f32 to vector<16xf32>
      %sub3A_483 = arith.subf %sub3A_482, %mul3A_480 : vector<16xf32>
      %mul3A_484 = arith.mulf %mul3A_478, %sub3A_483 : vector<16xf32>
      %mul3A_485 = arith.mulf %mul3A_472, %mul3A_484 : vector<16xf32>
      %mul3A_486 = arith.mulf %mul3A_485, %mul3A_484 : vector<16xf32>
      %sub3A_487 = arith.constant 1.500000e+00 : f32
      %sub3A_488 = vector.broadcast %sub3A_487 : f32 to vector<16xf32>
      %sub3A_489 = arith.subf %sub3A_488, %mul3A_486 : vector<16xf32>
      %mul3A_490 = arith.mulf %mul3A_484, %sub3A_489 : vector<16xf32>
      %mul3A_491 = arith.mulf %add3A_430, %mul3A_490 : vector<16xf32>
      %jit3A = arith.constant 0.000000e+00 : f32
      %broadcast_in_dim3A_492 = vector.broadcast %jit3A : f32 to vector<16xf32>
      %select_n3A = arith.select %gt3A_461, %mul3A_491, %broadcast_in_dim3A_492 : vector<16xi1>, vector<16xf32>
      %gt3A_493 = arith.constant 0.000000e+00 : f32
      %gt3A_494 = vector.broadcast %gt3A_493 : f32 to vector<16xf32>
      %gt3A_495 = arith.cmpf ogt, %add3A_459, %gt3A_494 : vector<16xf32>
      %bitcast_convert_type3A_496 = tpu.bitcast %add3A_459 : vector<16xf32> -> vector<16xi32>
      %shift_right_logical3A_497 = arith.constant 1 : i32
      %shift_right_logical3A_498 = vector.broadcast %shift_right_logical3A_497 : i32 to vector<16xi32>
      %shift_right_logical3A_499 = arith.shrui %bitcast_convert_type3A_496, %shift_right_logical3A_498 : vector<16xi32>
      %sub3A_500 = arith.constant 1597463007 : i32
      %sub3A_501 = vector.broadcast %sub3A_500 : i32 to vector<16xi32>
      %sub3A_502 = arith.subi %sub3A_501, %shift_right_logical3A_499 : vector<16xi32>
      %bitcast_convert_type3A_503 = tpu.bitcast %sub3A_502 : vector<16xi32> -> vector<16xf32>
      %mul3A_504 = arith.constant 5.000000e-01 : f32
      %mul3A_505 = vector.broadcast %mul3A_504 : f32 to vector<16xf32>
      %mul3A_506 = arith.mulf %add3A_459, %mul3A_505 : vector<16xf32>
      %mul3A_507 = arith.mulf %mul3A_506, %bitcast_convert_type3A_503 : vector<16xf32>
      %mul3A_508 = arith.mulf %mul3A_507, %bitcast_convert_type3A_503 : vector<16xf32>
      %sub3A_509 = arith.constant 1.500000e+00 : f32
      %sub3A_510 = vector.broadcast %sub3A_509 : f32 to vector<16xf32>
      %sub3A_511 = arith.subf %sub3A_510, %mul3A_508 : vector<16xf32>
      %mul3A_512 = arith.mulf %bitcast_convert_type3A_503, %sub3A_511 : vector<16xf32>
      %mul3A_513 = arith.mulf %mul3A_506, %mul3A_512 : vector<16xf32>
      %mul3A_514 = arith.mulf %mul3A_513, %mul3A_512 : vector<16xf32>
      %sub3A_515 = arith.constant 1.500000e+00 : f32
      %sub3A_516 = vector.broadcast %sub3A_515 : f32 to vector<16xf32>
      %sub3A_517 = arith.subf %sub3A_516, %mul3A_514 : vector<16xf32>
      %mul3A_518 = arith.mulf %mul3A_512, %sub3A_517 : vector<16xf32>
      %mul3A_519 = arith.mulf %mul3A_506, %mul3A_518 : vector<16xf32>
      %mul3A_520 = arith.mulf %mul3A_519, %mul3A_518 : vector<16xf32>
      %sub3A_521 = arith.constant 1.500000e+00 : f32
      %sub3A_522 = vector.broadcast %sub3A_521 : f32 to vector<16xf32>
      %sub3A_523 = arith.subf %sub3A_522, %mul3A_520 : vector<16xf32>
      %mul3A_524 = arith.mulf %mul3A_518, %sub3A_523 : vector<16xf32>
      %mul3A_525 = arith.mulf %add3A_459, %mul3A_524 : vector<16xf32>
      %jit3A_526 = arith.constant 0.000000e+00 : f32
      %broadcast_in_dim3A_527 = vector.broadcast %jit3A_526 : f32 to vector<16xf32>
      %select_n3A_528 = arith.select %gt3A_495, %mul3A_525, %broadcast_in_dim3A_527 : vector<16xi1>, vector<16xf32>
      %sub3A_529 = arith.subf %select_n3A, %select_n3A_528 : vector<16xf32>
      %add3A_530 = vector.broadcast %squeeze3A : f32 to vector<16xf32>
      %add3A_531 = arith.addf %sub3A_529, %add3A_530 : vector<16xf32>
      %swap3A = arith.constant 0 : index
      %swap3A_532 = tpu.vector_load %arg14[%swap3A] {strides = array<i32>} : memref<16xf32, #tpu.memory_space<vmem>>, vector<16xf32>,
      tpu.vector_store %arg14[%swap3A], %add3A_531 {strides = array<i32>} : memref<16xf32, #tpu.memory_space<vmem>>, vector<16xf32>,
      "tpu.region"() ({
        %run_scoped3A = tpu.sem_alloc : memref<!tpu.dma_semaphore, #tpu.memory_space<semaphore_mem>>
        %dma_start3A_533 = arith.constant 8 : i32
        %dma_start3A_534 = tpu.memref_slice %arg14[%dma_start3A_533] : memref<16xf32, #tpu.memory_space<vmem>> -> memref<1xf32, #tpu.memory_space<vmem>>
        %dma_start3A_535 = arith.constant 8 : i32
        %dma_start3A_536 = tpu.memref_slice %arg14[%dma_start3A_535] : memref<16xf32, #tpu.memory_space<vmem>> -> memref<1xf32, #tpu.memory_space<vmem>>
        tpu.enqueue_dma source(%dma_start3A_536 : memref<1xf32, #tpu.memory_space<vmem>>) target(%arg6 : memref<1xf32, #tpu.memory_space<hbm>>) target_semaphore(%run_scoped3A : memref<!tpu.dma_semaphore, #tpu.memory_space<semaphore_mem>>)
        %dma_wait3A_537 = arith.constant 8 : i32
        %dma_wait3A_538 = tpu.memref_slice %arg14[%dma_wait3A_537] : memref<16xf32, #tpu.memory_space<vmem>> -> memref<1xf32, #tpu.memory_space<vmem>>
        %dma_wait3A_539 = arith.constant 8 : i32
        %dma_wait3A_540 = tpu.memref_slice %arg14[%dma_wait3A_539] : memref<16xf32, #tpu.memory_space<vmem>> -> memref<1xf32, #tpu.memory_space<vmem>>
        tpu.wait_dma2 semaphore(%run_scoped3A : memref<!tpu.dma_semaphore, #tpu.memory_space<semaphore_mem>>) src(%dma_wait3A_540 : memref<1xf32, #tpu.memory_space<vmem>>) dst(%arg6 : memref<1xf32, #tpu.memory_space<hbm>>)
        tpu.yield
      }) : () -> ()
    } else {
    }
    return
  }
}

</mosaic_0001>

<sc_bundles>
// kernel: kernel.3.cloned.1.call-start
scs
__scs_entry_jumppad:
0x0: {  	(pc) =	sbr.rel $0x88, $3  }
0x1: {  	(tag) =	ssettag $0x0;
	lr =	simm.s32 $0x1  }
0x2: {  	[smem:$0x3F9D] =	sst lr;
	_ =	strace $0xD0000000  }
0x3: {  	_ = 	snop  }
0x4: {  	_ = 	snop  }
0x5: {  	_ = 	snop  }
0x6: {  	_ = 	snop  }
0x7: {  	_ = 	snop  }
__scs_overlays_trampoline_lowered:
0x8: {  	[smem:$0x3FAC] =	sst s0  }
0x9: {  	[smem:$0x3FAD] =	sst s1  }
0xa: {  	[smem:$0x3FAE] =	sst s2  }
0xb: {  	[smem:$0x3FAF] =	sst s3  }
0xc: {  	[smem:$0x3FB0] =	sst s4  }
0xd: {  	[smem:$0x3FB1] =	sst s5  }
0xe: {  	[smem:$0x3FB2] =	sst s6  }
0xf: {  	[smem:$0x3FB3] =	sst s7  }
0x10: {  	[smem:$0x3FB4] =	sst s8  }
0x11: {  	[smem:$0x3FB5] =	sst s9;
	s0 =	simm.s32 @!p0 $0x0  }
0x12: {  	s1 =	sld [smem:$0x3F9B];
	s0 =	simm.s32 @p0 $0x1  }
0x13: {  	[smem:$0x3FB6] =	sst s0;
	s0 =	simm.s32 @!p1 $0x0  }
0x14: {  	s2 =	sld [smem:$0x3F9A];
	s0 =	simm.s32 @p1 $0x1  }
0x15: {  	[smem:$0x3FB7] =	sst s0;
	s0 =	simm.s32 @!p2 $0x0  }
0x16: {  	s3 =	sld [smem:$0x3FDB];
	s0 =	simm.s32 @p2 $0x1  }
0x17: {  	s4 =	simm.s32 $0x1BF5;
	[smem:$0x3FB9] =	sst s0  }
0x18: {  	s0 =	sld [smem:$0x3F9C];
	_ =	swait.ge [sflag:s4], $0x0  }
0x19: {  	s7 =	sld [smem:$0x3F9D]  }
0x1a: {  	s8 =	sadd.s32 $0xFFFFE003, lr  }
0x1b: {  	s9 =	sadd.s32 $0xFFFFFEF7, lr;
	s5 =	simm.s32 $0xFFFFFFFF;
	p2 =	slt.u32 s8, $0xFFFFF086  }
0x1c: {  	p1 =	slt.u32 s9, $0xF7A;
	s5 =	simm.s32 @!p2 $0x0  }
0x1d: {  	s5 =	simm.s32 @p1 $0x1;
	p0 =	seq.s32 s7, s2  }
0x1e: {  	s7 =	smul.u32 @!p0 $0xF7A, s2;
	p2 =	seq.s32 @!p0 s5, $0x0  }
0x1f: {  	s9 =	smul.u32 $0xF7A, s1;
	s8 =	simm.s32 @!p0 $0x1BF5;
	p2 =	por !p2, p0  }
0x20: {  	[sflag:s8] =	ssyncset.s32 @!p0 $0xFFFFF086;
	s6 =	sadd.s32 @!p0 s3, s7;
	s7 =	simm.s32 @!p0 $0x108  }
0x21: {  	s3 =	sadd.s32 s3, s9;
	s6 =	sadd.s32 @!p0 $0x88, s6;
	s7 =	simm.s32 @p2 $0x1082  }
0x22: {  	[simem:s7], [sflag:s8] =	dma.local @!p0 [hbm:s6], $0xF7A  }
0x23: {  	s9 =	sor.u32 $0xD0000000, s2;
	s6 =	simm.s32 $0x108;
	_ =	swait.ge @!p0 [sflag:s8], $0x0  }
0x24: {  	s3 =	sadd.s32 $0x88, s3;
	s6 =	simm.s32 @!p1 $0x1082;
	[sflag:s4] =	ssyncset.s32 $0xFFFFF086  }
0x25: {  	[simem:s6], [sflag:s4] =	dma.local [hbm:s3], $0xF7A  }
0x26: {  	[smem:$0x3F9D] =	sst s1;
	(tag) =	ssettag s2;
	_ =	strace s9  }
0x27: {  	s1 =	sld [smem:$0x3FAD]  }
0x28: {  	s2 =	sld [smem:$0x3FAE]  }
0x29: {  	s4 =	sld [smem:$0x3FB0]  }
0x2a: {  	p0 =	seq.s32 s5, $0x0;
	s5 =	sld [smem:$0x3FB1]  }
0x2b: {  	s6 =	sld [smem:$0x3FB2]  }
0x2c: {  	s7 =	sld [smem:$0x3FB3]  }
0x2d: {  	s3 =	simm.s32 $0x108;
	s8 =	sld [smem:$0x3FB4]  }
0x2e: {  	s3 =	simm.s32 @!p0 $0x1082;
	s9 =	sld [smem:$0x3FB5]  }
0x2f: {  	lr =	sadd.s32 s0, s3;
	s0 =	sld [smem:$0x3FAC]  }
0x30: {  	s3 =	sld [smem:$0x3FAF]  }
0x31: {  	[smem:$0x3FB8] =	sst s10  }
0x32: {  	s10 =	sld [smem:$0x3FB6];
	_ =	sdelay $0x3  }
0x33: {  	p0 =	seq.s32 s10, $0x1;
	s10 =	sld [smem:$0x3FB8];
	_ =	sdelay $0x3  }
0x34: {  	[smem:$0x3FB8] =	sst s10  }
0x35: {  	s10 =	sld [smem:$0x3FB7];
	_ =	sdelay $0x3  }
0x36: {  	p1 =	seq.s32 s10, $0x1;
	s10 =	sld [smem:$0x3FB8];
	_ =	sdelay $0x3  }
0x37: {  	[smem:$0x3FB8] =	sst s10  }
0x38: {  	s10 =	sld [smem:$0x3FB9]  }
0x39: {  	_ = 	snop;
	(pc) =	sbr.ind lr, $3  }
0x3a: {  	_ = 	snop  }
0x3b: {  	_ = 	snop  }
0x3c: {  	p2 =	seq.s32 s10, $0x1;
	s10 =	sld [smem:$0x3FB8]  }
0x3d: {  	_ =	shalt  }
0x3e: {  	_ =	shalt  }
0x3f: {  	_ =	shalt  }
0x40: {  	_ =	shalt  }
0x41: {  	_ =	shalt  }
0x42: {  	_ =	shalt  }
0x43: {  	_ =	shalt  }
0x44: {  	_ =	shalt  }
0x45: {  	_ =	shalt  }
0x46: {  	_ =	shalt  }
0x47: {  	_ =	shalt  }
0x48: {  	_ =	shalt  }
0x49: {  	_ =	shalt  }
0x4a: {  	_ =	shalt  }
0x4b: {  	_ =	shalt  }
0x4c: {  	_ =	shalt  }
0x4d: {  	_ =	shalt  }
0x4e: {  	_ =	shalt  }
0x4f: {  	_ =	shalt  }
0x50: {  	_ =	shalt  }
0x51: {  	_ =	shalt  }
0x52: {  	_ =	shalt  }
0x53: {  	_ =	shalt  }
0x54: {  	_ =	shalt  }
0x55: {  	_ =	shalt  }
0x56: {  	_ =	shalt  }
0x57: {  	_ =	shalt  }
0x58: {  	_ =	shalt  }
0x59: {  	_ =	shalt  }
0x5a: {  	_ =	shalt  }
0x5b: {  	_ =	shalt  }
0x5c: {  	_ =	shalt  }
0x5d: {  	_ =	shalt  }
0x5e: {  	_ =	shalt  }
0x5f: {  	_ =	shalt  }
0x60: {  	_ =	shalt  }
0x61: {  	_ =	shalt  }
0x62: {  	_ =	shalt  }
0x63: {  	_ =	shalt  }
0x64: {  	_ =	shalt  }
0x65: {  	_ =	shalt  }
0x66: {  	_ =	shalt  }
0x67: {  	_ =	shalt  }
0x68: {  	_ =	shalt  }
0x69: {  	_ =	shalt  }
0x6a: {  	_ =	shalt  }
0x6b: {  	_ =	shalt  }
0x6c: {  	_ =	shalt  }
0x6d: {  	_ =	shalt  }
0x6e: {  	_ =	shalt  }
0x6f: {  	_ =	shalt  }
0x70: {  	_ =	shalt  }
0x71: {  	_ =	shalt  }
0x72: {  	_ =	shalt  }
0x73: {  	_ =	shalt  }
0x74: {  	_ =	shalt  }
0x75: {  	_ =	shalt  }
0x76: {  	_ =	shalt  }
0x77: {  	_ =	shalt  }
0x78: {  	_ =	shalt  }
0x79: {  	_ =	shalt  }
0x7a: {  	_ =	shalt  }
0x7b: {  	_ =	shalt  }
0x7c: {  	_ =	shalt  }
0x7d: {  	_ =	shalt  }
0x7e: {  	_ =	shalt  }
0x7f: {  	_ =	shalt  }
0x80: {  	_ =	shalt  }
0x81: {  	_ =	shalt  }
0x82: {  	_ =	shalt  }
0x83: {  	_ =	shalt  }
0x84: {  	_ =	shalt  }
0x85: {  	_ =	shalt  }
0x86: {  	_ =	shalt  }
0x87: {  	_ =	shalt  }
.Lfunc_end0:
.L_simem_size_0:
called_computation_lowered:
.L_overlay_start_0:
0x88: {  	s0 =	sld [smem:$0x3FD9]  }
0x89: {  	s1 =	sld [smem:$0x3FFE];
	_ =	sdelay $0x3  }
0x8a: {  	s0 =	sadd.s32 s1, s0  }
0x8b: {  	[smem:$0x3FC4] =	sst s0  }
0x8c: {  	_ = 	snop  }
0x8d: {  	s0 =	sld [smem:$0x3FC9]  }
0x8e: {  	s17 =	sld [smem:$0x3FC8]  }
0x8f: {  	s2 =	sld [smem:$0x3FC7]  }
0x90: {  	s3 =	sld [smem:$0x3FC6]  }
0x91: {  	s4 =	sld [smem:$0x3FD0];
	(tm) =	ssettm $0x1  }
0x92: {  	s5 =	sld [smem:$0x3FFB];
	_ =	sdelay $0x3  }
0x93: {  	_ =	strace s5  }
0x94: {  	s5 =	sld [smem:$0x3FFC];
	_ =	sdelay $0x3  }
0x95: {  	_ =	strace s5  }
0x96: {  	s5 =	sld [smem:$0x3FFD];
	_ =	sdelay $0x3  }
0x97: {  	_ =	strace s5  }
0x98: {  	_ =	strace $0x8FFFFFFF  }
0x99: {  	s18 =	sld [smem:$0x3FDB];
	_ =	sdelay $0x1  }
0x9a: {  	s6 =	simm.s32 $_scs_section_size  }
0x9b: {  	s7 =	simm.s32 $_size__tile_overlayer_lowered;
	s8 =	simm.s32 $_tile_overlayer_lowered  }
0x9c: {  	s21 =	simm.s32 $0x1BFF;
	s20 =	sshll.u32 s8, $0x1;
	s5 =	sadd.s32 s6, s18  }
0x9d: {  	s9 =	simm.s32 $0x0;
	s19 =	sshll.u32 s7, $0x1;
	s7 =	sadd.s32 s20, s5  }
0x9e: {  	[timem:s9], [sflag:s21] =	dma.local [hbm:s7], s19  }
0x9f: {  	_ =	swait.ge [sflag:s21], s19  }
0xa0: {  	s6 =	ssub.s32 $0x0, s19;
	[sflag:s21] =	ssyncset.done $0x0  }
0xa1: {  	[sflag:s21] =	ssyncadd.s32 s6;
	_ =	sdelay $0x1  }
0xa2: {  	s22 =	simm.s32 $0x1B8B  }
0xa3: {  	_ =	swait.ge [sflag:s22], $0x1  }
0xa4: {  	[sflag:s22] =	ssyncset.done $0x0  }
0xa5: {  	s23 =	simm.s32 $0x1B8E;
	[sflag:s22] =	ssyncadd.s32 $0xFFFFFFFF  }
0xa6: {  	s24 =	simm.s32 $execute0_lowered;
	[smem:$0x3FD2] =	sst s23  }
0xa7: {  	s6 =	sshll.u32 s24, $0x1;
	_ =	strace $0x80000046;
	[dreg:$0x1] =	wrdreg $0xFFFFFFFF  }
0xa8: {  	s25 =	simm.s32 $_size_execute0_lowered;
	s5 =	sadd.s32 s5, s6;
	[dreg:$0x0] =	wrdreg $0x0  }
0xa9: {  	s6 =	sshll.u32 s25, $0x1;
	[dreg:$0x2] =	wrdreg s5  }
0xaa: {  	[dreg:$0x3] =	wrdreg s6  }
0xab: {  	[dreg:$0x4] =	wrdreg $0xC0  }
0xac: {  	_ =	task [dreg:s9], $0x5FFFF  }
0xad: {  	[dreg:$0x1] =	wrdreg $0xFFFFFFFF  }
0xae: {  	[dreg:$0x0] =	wrdreg $0x60  }
0xaf: {  	[dreg:$0x2] =	wrdreg s0  }
0xb0: {  	[dreg:$0x3] =	wrdreg s2  }
0xb1: {  	[dreg:$0x4] =	wrdreg s3  }
0xb2: {  	[dreg:$0x5] =	wrdreg s17  }
0xb3: {  	[dreg:$0x6] =	wrdreg s4  }
0xb4: {  	[dreg:$0x7] =	wrdreg $0x9  }
0xb5: {  	_ =	task.clear_ibuf [dreg:s9], $0x8FFFF;
	_ =	strace $0x90000046  }
0xb6: {  	s26 =	simm.s32 $0x9;
	_ =	strace $0x80000048  }
0xb7: {  	_ =	swait.ge [sflag:s26], $0x1  }
0xb8: {  	[sflag:s26] =	ssyncadd.s32 $0xFFFFFFFF  }
0xb9: {  	_ =	strace $0x90000048  }
0xba: {  	_ =	sfence  }
0xbb: {  	s28 =	sld [smem:$0x0];
	_ =	sdelay $0x1  }
0xbc: {  	s29 =	srdreg.scid  }
0xbd: {  	s30 =	sshll.u32 s29, $0xD;
	s31 =	sshrl.u32 s29, $0x2  }
0xbe: {  	s1 =	sand.u32 $0x1, s29;
	s2 =	sand.u32 $0x4000, s30;
	s0 =	sadd.s32 s31, s28  }
0xbf: {  	s1 =	sor.u32 s2, s1;
	s0 =	sshll.u32 s0, $0x11  }
0xc0: {  	s0 =	sor.u32 s0, s1  }
0xc1: {  	s0 =	sadd.s32 $0x8F2B, s0  }
0xc2: {  	[sflag:s0] =	ssyncadd.remote.s32 $0x1  }
0xc3: {  	_ =	sfence.sel $0xFFFF  }
0xc4: {  	[dreg:$0x0] =	wrdreg $0xFFFFFFFF;
	(pc) =	sbr.abs _section_cstart, $3  }
0xc5: {  	[dreg:$0x1] =	wrdreg $0xFFFFFFFF  }
0xc6: {  	_ =	task.clear_ibuf [dreg:s9], $0x2FFFF;
	_ =	strace $0x9FFFFFFF  }
0xc7: {  	(tm) =	ssettm $0x7FFFFFFF  }
tec
execute0_lowered:
.L_overlay_start_1:
0x0: {  	(tag) =	ssettag $0x1  }
0x1: {  	s5 =	rddreg [dreg:$0x0];
	s7 =	stileid.u32  }
0x2: {  	s4 =	rddreg [dreg:$0x1];
	p0 =	sne.s32 s7, $0x0  }
.Ltmp0:
0x3: {  	s3 =	rddreg [dreg:$0x2];
	(pc) =	sbr.rel @p0 .LBB2_2-.Ltmp0, $4  }
0x4: {  	s6 =	rddreg [dreg:$0x3]  }
0x5: {  	s1 =	rddreg [dreg:$0x4];
	s2 =	simm.s32 $0x0  }
0x6: {  	[smem:$0x7FF] =	sst s2  }
0x7: {  	s0 =	rddreg [dreg:$0x5];
	_ =	strace $0x80000047  }
0x8: {  	s5 =	sadd.s32 $0x7C0, s5;
	s7 =	simm.s32 $0x200;
	s8 =	simm.s32 $0x4000  }
0x9: {  	[tilespmem:s2], [sflag:$0x1] =	stream.strided.gather [hbm4b:s5+s7], $0x0, s8, s7, $0x38;
	[tilespmem:$0x8380] =	vst v63  }
0xa: {  	_ = 	snop  }
0xb: {  	[tilespmem:s2], [sflag:$0x1] =	stream.linear.gather [hbm4b:s5+s2], $0x180, $0x38;
	[tilespmem:$0x8380] =	vst v63  }
0xc: {  	_ = 	snop  }
0xd: {  	[tilespmem:s7], [sflag:$0x1] =	stream.linear.gather [hbm4b:s4+s2], $0x1, $0x38;
	[tilespmem:$0x8380] =	vst v63  }
0xe: {  	s14 =	simm.s32 $0x280;
	s15 =	simm.s32 $0x1  }
0xf: {  	[tilespmem:s14], [sflag:$0x1] =	stream.linear.gather [hbm4b:s3+s2], $0x1, $0x38;
	[tilespmem:$0x8380] =	vst v63  }
0x10: {  	_ =	swait.ge [sflag:s15], $0x180  }
0x11: {  	[sflag:s15] =	ssyncset.done $0x0  }
0x12: {  	v0 =	vimm.s32 $0x17F;
	vm0 =	vcmask $0x300;
	[sflag:s15] =	ssyncadd.s32 $0xFFFFFE80  }
0x13: {  	vm14 =	vcmask $0x704;
	v0 =	vsel vm0, $0x7F, v0;
	_ =	swait.ge [sflag:s15], $0x1  }
0x14: {  	v0 =	vsel vm14, $0xFF, v0;
	[sflag:s15] =	ssyncset.done $0x0  }
0x15: {  	[sflag:s15] =	ssyncadd.s32 $0xFFFFFFFF  }
0x16: {  	_ =	swait.ge [sflag:s15], $0x1  }
0x17: {  	[sflag:s15] =	ssyncset.done $0x0  }
0x18: {  	[sflag:s15] =	ssyncadd.s32 $0xFFFFFFFF  }
0x19: {  	v0 =	vld.idx.msk [tilespmem:v0+s2+$0x0], $0xffff;
	_ =	sdelay $0x1  }
0x1a: {  	v1 =	vld [tilespmem:$0x200];
	_ =	sdelay $0x2  }
0x1b: {  	(v2sf) =	vpush v0, $0x0  }
0x1c: {  	(v2sf) =	vpush v0, $0x2  }
0x1d: {  	(v2sf) =	vpush v1, $0x0  }
0x1e: {  	(v2sf) =	vpush v0, $0x1;
	_ =	sdelay $0xb  }
0x1f: {  	s16 =	spop (v2sf)  }
0x20: {  	s10 =	simm.s32 $0x400;
	s17 =	spop (v2sf)  }
0x21: {  	s11 =	simm.s32 $0x7A1400;
	s18 =	sand.u32 $0xFFFFF80, s16;
	s9 =	spop (v2sf)  }
0x22: {  	s12 =	simm.s32 $0x300;
	s3 =	sadd.s32 s6, s18;
	s19 =	spop (v2sf)  }
0x23: {  	v0 =	vld.msk [tilespmem:$0x280 ss:$0x0], $0xffff;
	[tilespmem:s12], [sflag:$0x1] =	stream.strided.gather [hbm4b:s3+s10], $0x2000, s11, s10, $0x38  }
0x24: {  	s20 =	sand.u32 $0xFFFFF80, s19  }
0x25: {  	s21 =	simm.s32 $0x2300;
	s22 =	sand.u32 $0xFFFFF80, s17;
	s13 =	sadd.s32 s6, s20  }
0x26: {  	[tilespmem:s21], [sflag:$0x1] =	stream.strided.gather [hbm4b:s13+s10], $0x2000, s11, s10, $0x38;
	[tilespmem:$0x8380] =	vst v63  }
0x27: {  	s14 =	simm.s32 $0x4300;
	s23 =	sand.u32 $0xFFFFF80, s9;
	s13 =	sadd.s32 s6, s22  }
0x28: {  	[tilespmem:s14], [sflag:$0x1] =	stream.strided.gather [hbm4b:s13+s10], $0x2000, s11, s10, $0x38;
	[tilespmem:$0x8380] =	vst v63  }
0x29: {  	s25 =	simm.s32 $0x6300;
	s24 =	sadd.s32 s6, s23  }
0x2a: {  	[tilespmem:s25], [sflag:$0x1] =	stream.strided.gather [hbm4b:s24+s10], $0x2000, s11, s10, $0x38;
	[tilespmem:$0x8380] =	vst v63  }
0x2b: {  	_ =	swait.ge [sflag:s15], $0x2000  }
0x2c: {  	[sflag:s15] =	ssyncset.done $0x0  }
0x2d: {  	[sflag:s15] =	ssyncadd.s32 $0xFFFFE000  }
0x2e: {  	_ =	swait.ge [sflag:s15], $0x2000  }
0x2f: {  	v41 =	vlaneseq.u32;
	[sflag:s15] =	ssyncset.done $0x0  }
0x30: {  	v9 =	vmul.u32 $0x80, v41;
	[sflag:s15] =	ssyncadd.s32 $0xFFFFE000  }
0x31: {  	s26 =	sand.u32 $0x7F, s16;
	_ =	swait.ge [sflag:s15], $0x2000  }
0x32: {  	s28 =	sand.u32 $0x7F, s17;
	v1 =	vor.u32 s26, v9;
	[sflag:s15] =	ssyncset.done $0x0  }
0x33: {  	s29 =	sand.u32 $0x7F, s9;
	v2 =	vor.u32 s28, v9;
	[sflag:s15] =	ssyncadd.s32 $0xFFFFE000  }
0x34: {  	v15 =	vor.u32 $0x800, v9;
	v3 =	vor.u32 s29, v9;
	_ =	swait.ge [sflag:s15], $0x2000  }
0x35: {  	v5 =	vor.u32 s26, v15;
	[sflag:s15] =	ssyncset.done $0x0  }
0x36: {  	v16 =	vor.u32 $0x1000, v9;
	v6 =	vor.u32 s28, v15;
	[sflag:s15] =	ssyncadd.s32 $0xFFFFE000  }
0x37: {  	v12 =	vor.u32 s26, v16;
	v4 =	vld.idx.msk [tilespmem:v1+s12+$0x0], $0xffff  }
0x38: {  	v10 =	vor.u32 s29, v15;
	v11 =	vld.idx.msk [tilespmem:v2+s14+$0x0], $0xffff  }
0x39: {  	v42 =	vor.u32 s28, v16;
	v7 =	vld.idx.msk [tilespmem:v3+s25+$0x0], $0xffff  }
0x3a: {  	v17 =	vor.u32 $0x1800, v9;
	v43 =	vor.u32 s29, v16;
	v1 =	vld.idx.msk [tilespmem:v5+s12+$0x0], $0xffff  }
0x3b: {  	v13 =	vor.u32 s26, v17;
	v8 =	vld.idx.msk [tilespmem:v6+s14+$0x0], $0xffff  }
0x3c: {  	v44 =	vor.u32 s28, v17;
	v3 =	vld.idx.msk [tilespmem:v12+s12+$0x0], $0xffff  }
0x3d: {  	v48 =	vimm.s32 $0xFEDCBA98;
	v24 =	vimm.s32 $0x76543210;
	v22 =	vor.u32 s29, v17;
	v2 =	vld.idx.msk [tilespmem:v10+s25+$0x0], $0xffff  }
0x3e: {  	v54 =	vimm.s32 $0xBA98FEDC;
	v55 =	vimm.s32 $0x32107654;
	v58 =	vimm.s32 $0xDCFE98BA;
	v10 =	vld.idx.msk [tilespmem:v42+s14+$0x0], $0xffff  }
0x3f: {  	v24 =	vunpack.c.l.s4.s8 v24;
	v5 =	vld.idx.msk [tilespmem:v43+s25+$0x0], $0xffff;
	v14 =	vmul.f32 v4, v4;
	v19 =	vmul.f32 v1, v1  }
0x40: {  	v25 =	vimm.s32 $0x54761032;
	v30 =	vimm.s32 $0xEFCDAB89;
	v57 =	vunpack.c.l.s4.s8 v55;
	v6 =	vld.idx.msk [tilespmem:v13+s12+$0x0], $0xffff  }
0x41: {  	v53 =	vunpack.c.0.s8.s32 v24;
	v13 =	vld.idx.msk [tilespmem:v44+s14+$0x0], $0xffff;
	v23 =	vmul.f32 v3, v3;
	v14 =	vadd.f32 v19, v14  }
0x42: {  	v12 =	vld.idx.msk [tilespmem:v22+s25+$0x0], $0xffff;
	v22 =	vunpack.c.l.s4.s8 v54;
	v18 =	vmul.f32 v11, v11;
	v21 =	vmul.f32 v8, v8  }
0x43: {  	v20 =	vmul.f32 v7, v7;
	v14 =	vadd.f32 v23, v14;
	v23 =	vunpack.c.l.s4.s8 v48  }
0x44: {  	v45 =	vmul.f32 v2, v2;
	v46 =	vmul.f32 v10, v10;
	v18 =	vadd.f32 v21, v18  }
0x45: {  	v47 =	vmul.f32 v5, v5;
	v49 =	vmul.f32 v6, v6;
	v52 =	vunpack.c.0.s8.s32 v23  }
0x46: {  	v50 =	vmul.f32 v13, v13;
	v19 =	vadd.f32 v45, v20;
	v18 =	vadd.f32 v46, v18  }
0x47: {  	v56 =	vmul.f32 v12, v12;
	v51 =	vadd.f32 v49, v14;
	v14 =	vand.u32 $0xF, v52  }
0x48: {  	v19 =	vadd.f32 v47, v19;
	v18 =	vadd.f32 v50, v18;
	v14 =	vcombine.low v14, v53  }
0x49: {  	v31 =	vimm.s32 $0x67452301;
	v22 =	vunpack.c.0.s8.s32 v22;
	v20 =	vunpack.c.0.s8.s32 v57  }
0x4a: {  	v25 =	vunpack.c.l.s4.s8 v25;
	v19 =	vadd.f32 v56, v19;
	v26 =	vperm.xlane v18, v14  }
0x4b: {  	v20 =	vcombine.low v20, v22;
	v23 =	vunpack.c.l.s4.s8 v58;
	v59 =	vperm.xlane v51, v14  }
0x4c: {  	v61 =	vunpack.c.0.s8.s32 v25;
	v29 =	vperm.xlane v19, v14;
	v62 =	vadd.f32 v26, v18  }
0x4d: {  	v63 =	vand.u32 $0xF, v20;
	v60 =	vunpack.c.0.s8.s32 v23;
	v21 =	vadd.f32 v59, v51  }
0x4e: {  	v25 =	vunpack.c.l.s4.s8 v31;
	v19 =	vadd.f32 v29, v19;
	v26 =	vperm.xlane v62, v63  }
0x4f: {  	v23 =	vunpack.c.l.s4.s8 v30;
	v28 =	vcombine.low v61, v60;
	v32 =	vperm.xlane v21, v63  }
0x50: {  	v25 =	vunpack.c.0.s8.s32 v25;
	v33 =	vperm.xlane v19, v63;
	v24 =	vadd.f32 v26, v62  }
0x51: {  	v23 =	vunpack.c.0.s8.s32 v23;
	v20 =	vand.u32 $0xF, v28;
	v21 =	vadd.f32 v32, v21  }
0x52: {  	v19 =	vadd.f32 v33, v19;
	v34 =	vperm.xlane v24, v20  }
0x53: {  	v23 =	vcombine.low v25, v23;
	v35 =	vperm.xlane v21, v20  }
0x54: {  	v36 =	vperm.xlane v19, v20;
	v22 =	vadd.f32 v34, v24  }
0x55: {  	v23 =	vand.u32 $0xF, v23;
	v21 =	vadd.f32 v35, v21  }
0x56: {  	v19 =	vadd.f32 v36, v19;
	v37 =	vperm.xlane v22, v23  }
0x57: {  	v38 =	vperm.xlane v21, v23  }
0x58: {  	v39 =	vperm.xlane v19, v23;
	v22 =	vadd.f32 v37, v22  }
0x59: {  	v21 =	vadd.f32 v38, v21  }
0x5a: {  	v19 =	vadd.f32 v39, v19;
	v40 =	vshrl.u32 v22, $0x1  }
0x5b: {  	v22 =	vmul.f32 $5.000000000e-01, v22;
	v41 =	vshrl.u32 v21, $0x1;
	v21 =	vmul.f32 $5.000000000e-01, v21  }
0x5c: {  	v27 =	vshrl.u32 v19, $0x1;
	v19 =	vmul.f32 $5.000000000e-01, v19;
	v24 =	vsub.s32 $0x5F3759DF, v40  }
0x5d: {  	v25 =	vsub.s32 $0x5F3759DF, v41;
	v27 =	vsub.s32 $0x5F3759DF, v27;
	v42 =	vmul.f32 v24, v22  }
0x5e: {  	v28 =	vmul.f32 v25, v21;
	v29 =	vmul.f32 v27, v19  }
0x5f: {  	v26 =	vmul.f32 v24, v42  }
0x60: {  	v28 =	vmul.f32 v25, v28;
	v29 =	vmul.f32 v27, v29  }
0x61: {  	v26 =	vsub.f32 $1.500000000e+00, v26  }
0x62: {  	v28 =	vsub.f32 $1.500000000e+00, v28;
	v43 =	vsub.f32 $1.500000000e+00, v29  }
0x63: {  	v24 =	vmul.f32 v24, v26  }
0x64: {  	v25 =	vmul.f32 v25, v28;
	v26 =	vmul.f32 v27, v43  }
0x65: {  	v44 =	vmul.f32 v24, v22  }
0x66: {  	v45 =	vmul.f32 v25, v21;
	v46 =	vmul.f32 v26, v19  }
0x67: {  	v28 =	vmul.f32 v44, v24  }
0x68: {  	v27 =	vmul.f32 v45, v25;
	v29 =	vmul.f32 v46, v26  }
0x69: {  	v28 =	vsub.f32 $1.500000000e+00, v28  }
0x6a: {  	v27 =	vsub.f32 $1.500000000e+00, v27;
	v47 =	vsub.f32 $1.500000000e+00, v29  }
0x6b: {  	v24 =	vmul.f32 v28, v24  }
0x6c: {  	v25 =	vmul.f32 v27, v25;
	v26 =	vmul.f32 v47, v26  }
0x6d: {  	v22 =	vmul.f32 v24, v22  }
0x6e: {  	s4 =	sand.u32 $0x7F, s19;
	v21 =	vmul.f32 v25, v21;
	v19 =	vmul.f32 v26, v19  }
0x6f: {  	v9 =	vor.u32 s4, v9;
	v22 =	vmul.f32 v22, v24  }
0x70: {  	v15 =	vor.u32 s4, v15;
	v21 =	vmul.f32 v21, v25;
	v19 =	vmul.f32 v19, v26  }
0x71: {  	v22 =	vsub.f32 $1.500000000e+00, v22  }
0x72: {  	v16 =	vor.u32 s4, v16;
	v21 =	vsub.f32 $1.500000000e+00, v21;
	v19 =	vsub.f32 $1.500000000e+00, v19  }
0x73: {  	v17 =	vor.u32 s4, v17;
	v22 =	vmul.f32 v22, v24  }
0x74: {  	v9 =	vld.idx.msk [tilespmem:v9+s21+$0x0], $0xffff;
	v21 =	vmul.f32 v21, v25;
	v19 =	vmul.f32 v19, v26  }
0x75: {  	v15 =	vld.idx.msk [tilespmem:v15+s21+$0x0], $0xffff;
	v22 =	vmin.f32 v22, $9.999999950e+11  }
0x76: {  	v21 =	vmin.f32 v21, $9.999999950e+11;
	v19 =	vmin.f32 v19, $9.999999950e+11;
	v11 =	vmul.f32 v22, v11  }
0x77: {  	v48 =	vld.idx.msk [tilespmem:v16+s21+$0x0], $0xffff;
	v4 =	vmul.f32 v21, v4;
	v7 =	vmul.f32 v19, v7  }
0x78: {  	v49 =	vld.idx.msk [tilespmem:v17+s21+$0x0], $0xffff;
	v8 =	vmul.f32 v22, v8;
	v1 =	vmul.f32 v21, v1  }
0x79: {  	v50 =	vmul.f32 v22, v10;
	v2 =	vmul.f32 v19, v2;
	v9 =	vsub.f32 v9, v11  }
0x7a: {  	v3 =	vmul.f32 v21, v3;
	v51 =	vmul.f32 v22, v13;
	v8 =	vsub.f32 v15, v8  }
0x7b: {  	v5 =	vmul.f32 v19, v5;
	v4 =	vadd.f32 v9, v4;
	v7 =	vadd.f32 v7, v9  }
0x7c: {  	v6 =	vmul.f32 v21, v6;
	v1 =	vadd.f32 v8, v1;
	v9 =	vsub.f32 v48, v50  }
0x7d: {  	v53 =	vmul.f32 v19, v12;
	v52 =	vsub.f32 v49, v51;
	v2 =	vadd.f32 v2, v8  }
0x7e: {  	v4 =	vmul.f32 v4, v4;
	v1 =	vmul.f32 v1, v1;
	v3 =	vadd.f32 v9, v3  }
0x7f: {  	v7 =	vmul.f32 v7, v7;
	v2 =	vmul.f32 v2, v2;
	v5 =	vadd.f32 v5, v9  }
0x80: {  	v54 =	vadd.f32 v52, v6;
	v1 =	vadd.f32 v1, v4;
	v3 =	vmul.f32 v3, v3  }
0x81: {  	v55 =	vadd.f32 v53, v52;
	v2 =	vadd.f32 v2, v7;
	v5 =	vmul.f32 v5, v5  }
0x82: {  	v56 =	vmul.f32 v54, v54;
	v1 =	vadd.f32 v1, v3  }
0x83: {  	v57 =	vmul.f32 v55, v55;
	v2 =	vadd.f32 v2, v5  }
0x84: {  	v1 =	vadd.f32 v1, v56  }
0x85: {  	v2 =	vadd.f32 v2, v57  }
0x86: {  	v3 =	vperm.xlane v1, v14  }
0x87: {  	v4 =	vperm.xlane v2, v14  }
0x88: {  	v1 =	vadd.f32 v1, v3  }
0x89: {  	v2 =	vadd.f32 v2, v4  }
0x8a: {  	v3 =	vperm.xlane v1, v63  }
0x8b: {  	v4 =	vperm.xlane v2, v63  }
0x8c: {  	v1 =	vadd.f32 v1, v3  }
0x8d: {  	v2 =	vadd.f32 v2, v4  }
0x8e: {  	v3 =	vperm.xlane v1, v20  }
0x8f: {  	v4 =	vperm.xlane v2, v20  }
0x90: {  	v1 =	vadd.f32 v1, v3  }
0x91: {  	v2 =	vadd.f32 v2, v4  }
0x92: {  	v3 =	vperm.xlane v1, v23  }
0x93: {  	v4 =	vperm.xlane v2, v23  }
0x94: {  	v1 =	vadd.f32 v1, v3  }
0x95: {  	v2 =	vadd.f32 v2, v4  }
0x96: {  	v3 =	vshrl.u32 v1, $0x1  }
0x97: {  	v58 =	vmul.f32 $5.000000000e-01, v1;
	v59 =	vshrl.u32 v2, $0x1;
	v60 =	vmul.f32 $5.000000000e-01, v2  }
0x98: {  	v3 =	vsub.s32 $0x5F3759DF, v3;
	v5 =	vsub.s32 $0x5F3759DF, v59  }
0x99: {  	v61 =	vmul.f32 v3, v58;
	v62 =	vmul.f32 v5, v60;
	_ =	sdelay $0x1  }
0x9a: {  	v7 =	vmul.f32 v3, v61;
	v8 =	vmul.f32 v5, v62;
	_ =	sdelay $0x1  }
0x9b: {  	v7 =	vsub.f32 $1.500000000e+00, v7;
	v8 =	vsub.f32 $1.500000000e+00, v8;
	_ =	sdelay $0x1  }
0x9c: {  	v3 =	vmul.f32 v3, v7;
	v5 =	vmul.f32 v5, v8;
	_ =	sdelay $0x1  }
0x9d: {  	v7 =	vmul.f32 v3, v58;
	v8 =	vmul.f32 v5, v60;
	_ =	sdelay $0x1  }
0x9e: {  	v7 =	vmul.f32 v7, v3;
	v8 =	vmul.f32 v8, v5;
	_ =	sdelay $0x1  }
0x9f: {  	v7 =	vsub.f32 $1.500000000e+00, v7;
	v8 =	vsub.f32 $1.500000000e+00, v8;
	_ =	sdelay $0x1  }
0xa0: {  	v3 =	vmul.f32 v7, v3;
	v5 =	vmul.f32 v8, v5;
	_ =	sdelay $0x1  }
0xa1: {  	v4 =	vmul.f32 v3, v58;
	v6 =	vmul.f32 v5, v60;
	_ =	sdelay $0x1  }
0xa2: {  	v4 =	vmul.f32 v4, v3;
	v6 =	vmul.f32 v6, v5;
	_ =	sdelay $0x1  }
0xa3: {  	v4 =	vsub.f32 $1.500000000e+00, v4;
	v6 =	vsub.f32 $1.500000000e+00, v6;
	_ =	sdelay $0x1  }
0xa4: {  	v3 =	vmul.f32 v4, v3;
	v63 =	vmul.f32 v6, v5;
	_ =	sdelay $0x1  }
0xa5: {  	v3 =	vmul.f32 v3, v1;
	v4 =	vmul.f32 v63, v2  }
0xa6: {  	vm15 =	vgt.f32 v1, $0.0e+00;
	vm1 =	vgt.f32 v2, $0.0e+00  }
0xa7: {  	v1 =	vnsel vm15, $0x0, v3;
	v2 =	vnsel vm1, $0x0, v4  }
0xa8: {  	v1 =	vsub.f32 v1, v2;
	_ =	sdelay $0x1  }
0xa9: {  	v0 =	vadd.f32 v1, v0;
	_ =	sdelay $0x1  }
0xaa: {  	s30 =	simm.s32 $0x8308;
	s31 =	simm.s32 $0x2;
	[tilespmem:$0x8300] =	vst v0  }
0xab: {  	[hbm4b:s1+s2] =	stream.linear.scatter [tilespmem:s30], [sflag:$0x2], $0x1, $0x38;
	[tilespmem:$0x8380] =	vst v63  }
0xac: {  	_ =	swait.ge [sflag:s31], $0x1  }
0xad: {  	[sflag:s31] =	ssyncset.done $0x0  }
0xae: {  	[sflag:s31] =	ssyncadd.s32 $0xFFFFFFFF  }
.LBB2_2:
0xaf: {  	_ =	sfence.sel $0x180000  }
0xb0: {  	[bflag:$0x0] =	sbarrier.arrive $0xFFFF  }
0xb1: {  	_ =	strace $0x90000047  }
0xb2: {  	s0 =	sadd.s32 @!p0 $0x100000, s0;
	[bflag:$0x2] =	sbarrier.arrive $0xFFFF  }
0xb3: {  	[sflag:s0] =	ssyncadd.tile.s32 @!p0 $0x1;
	_ =	shalt  }
.Lfunc_end2:
_tile_overlayer_lowered:
.L_overlay_start_2:
0xb4: {  	(tag) =	ssettag $0x2  }
0xb5: {  	s0 =	rddreg [dreg:$0x0];
	s2 =	stileid.u32  }
0xb6: {  	s1 =	rddreg [dreg:$0x1];
	p0 =	sne.s32 s2, $0x0  }
0xb7: {  	s3 =	rddreg [dreg:$0x2];
	[bflag:$0x3] =	sbarrier.arrive $0xFFFF;
	s2 =	simm.s32 @!p0 $0x1C02  }
0xb8: {  	[timem:s3], [sflag:s2] =	dma.local @!p0 [hbm:s0], s1  }
0xb9: {  	s0 =	simm.s32 @!p0 $0x2  }
0xba: {  	_ =	swait.ge @!p0 [sflag:s0], s1  }
0xbb: {  	s1 =	ssub.s32 @!p0 $0x0, s1;
	[sflag:s0] =	ssyncset.done @!p0 $0x0  }
0xbc: {  	[sflag:s0] =	ssyncadd.s32 @!p0 s1  }
0xbd: {  	[bflag:$0x3] =	sbarrier.arrive $0xFFFF  }
0xbe: {  	_ =	shalt  }

</sc_bundles>
